<compile_context>
chip_gen: v7x
topology: tpu7x:2x2x1
jax: 0.10.2.dev20260603
libtpu: 0.0.44.dev20260713+nightly
codegen_flags: <defaults>
</compile_context>

<pallas_src>
import functools

import jax
import jax.numpy as jnp
from jax import lax
from jax.experimental import pallas as pl
from jax.experimental.pallas import tpu as pltpu
from jax.experimental.pallas import tpu_sc as plsc

NC = 2
NS = 16
NW = NC * NS
CH = 128
KB = 8
F = 16

_SC_PARAMS = pltpu.CompilerParams(use_tc_tiling_on_sc=False)


def _sc_mesh():
    return plsc.VectorSubcoreMesh(core_axis_name="c", subcore_axis_name="s")


def _make_deg_kernel(nchunk, npad):
    rows_t = npad // NS

    @functools.partial(
        pl.kernel,
        out_type=jax.ShapeDtypeStruct((NC, npad), jnp.float32),
        mesh=_sc_mesh(),
        scratch_types=[
            pltpu.VMEM((nchunk, CH), jnp.int32),
            pltpu.VMEM((CH,), jnp.float32),
            pltpu.VMEM_SHARED((npad,), jnp.float32),
            pltpu.SemaphoreType.DMA,
        ],
        compiler_params=_SC_PARAMS,
    )
    def deg_kernel(dst_hbm, zeros_hbm, ones_hbm, out_hbm, idx_v, ones_v,
                   acc_sh, sem):
        c = lax.axis_index("c")
        s = lax.axis_index("s")
        wid = c * NS + s
        pltpu.sync_copy(dst_hbm.at[wid], idx_v)
        pltpu.sync_copy(ones_hbm, ones_v)
        pltpu.sync_copy(zeros_hbm, acc_sh.at[pl.ds(s * rows_t, rows_t)])
        plsc.subcore_barrier()

        @pl.loop(0, nchunk)
        def _(j):
            pltpu.async_copy(ones_v, acc_sh.at[idx_v.at[j]], sem, add=True)

        @pl.loop(0, nchunk)
        def _(j):
            pltpu.make_async_copy(ones_v, acc_sh.at[idx_v.at[j]], sem).wait()

        plsc.subcore_barrier()
        pltpu.sync_copy(acc_sh.at[pl.ds(s * rows_t, rows_t)],
                        out_hbm.at[c, pl.ds(s * rows_t, rows_t)])

    return deg_kernel


def _make_scatter_kernel(nchunk, npad):
    rows_t = npad // NS
    assert nchunk % KB == 0

    @functools.partial(
        pl.kernel,
        out_type=jax.ShapeDtypeStruct((NC, npad, F), jnp.float32),
        mesh=_sc_mesh(),
        scratch_types=[
            pltpu.VMEM((nchunk, CH), jnp.int32),
            pltpu.VMEM((nchunk, CH), jnp.int32),
            pltpu.VMEM((KB, CH, F), jnp.float32),
            pltpu.VMEM_SHARED((npad, F), jnp.float32),
            pltpu.SemaphoreType.DMA,
            pltpu.SemaphoreType.DMA,
        ],
        compiler_params=_SC_PARAMS,
    )
    def scatter_kernel(src_hbm, dst_hbm, g_hbm, zeros_hbm, out_hbm,
                       sidx_v, didx_v, rows_v, acc_sh, gsem, ssem):
        c = lax.axis_index("c")
        s = lax.axis_index("s")
        wid = c * NS + s
        pltpu.sync_copy(src_hbm.at[wid], sidx_v)
        pltpu.sync_copy(dst_hbm.at[wid], didx_v)
        pltpu.sync_copy(zeros_hbm, acc_sh.at[pl.ds(s * rows_t, rows_t)])
        plsc.subcore_barrier()

        @pl.loop(0, nchunk, step=KB)
        def _(j0):
            for q in range(KB):
                pltpu.async_copy(
                    g_hbm.at[sidx_v.at[j0 + q]], rows_v.at[q], gsem)
            for q in range(KB):
                pltpu.make_async_copy(
                    g_hbm.at[sidx_v.at[j0 + q]], rows_v.at[q], gsem).wait()
            for q in range(KB):
                pltpu.async_copy(
                    rows_v.at[q], acc_sh.at[didx_v.at[j0 + q]], ssem,
                    add=True)
            for q in range(KB):
                pltpu.make_async_copy(
                    rows_v.at[q], acc_sh.at[didx_v.at[j0 + q]], ssem).wait()

        plsc.subcore_barrier()
        pltpu.sync_copy(acc_sh.at[pl.ds(s * rows_t, rows_t)],
                        out_hbm.at[c, pl.ds(s * rows_t, rows_t)])

    return scatter_kernel


def _mid_body(x_ref, w_ref, degp_ref, g_ref, dinv_ref):
    h = jnp.dot(x_ref[...], w_ref[...], preferred_element_type=jnp.float32)
    n = x_ref.shape[0]
    deg = degp_ref[0] + degp_ref[1] + 1.0
    dinv = lax.rsqrt(deg)[:n][:, None]
    g_ref[...] = h * dinv
    dinv_ref[...] = jnp.broadcast_to(dinv, g_ref.shape)


def _final_body(accp_ref, g_ref, dinv_ref, b_ref, out_ref):
    n = g_ref.shape[0]
    acc = accp_ref[0, :n] + accp_ref[1, :n]
    out_ref[...] = (acc + g_ref[...]) * dinv_ref[...] + b_ref[...]


def kernel(x, edge_index, W, b):
    n, f_in = x.shape
    f_out = W.shape[1]
    e = edge_index.shape[1]
    assert f_out == F

    npad = ((n + 1 + NS * F - 1) // (NS * F)) * (NS * F)
    per_tile = -(-e // (NW * CH * KB)) * CH * KB
    nchunk = per_tile // CH
    epad = per_tile * NW

    src = edge_index[0]
    dst = edge_index[1]
    pad = epad - e
    src_p = jnp.concatenate([src, jnp.zeros((pad,), jnp.int32)])
    dst_p = jnp.concatenate([dst, jnp.full((pad,), npad - 1, jnp.int32)])
    src_r = src_p.reshape(NW, nchunk, CH)
    dst_r = dst_p.reshape(NW, nchunk, CH)

    rows_t = npad // NS
    zeros1_h = jnp.zeros((rows_t,), jnp.float32)
    zeros2_h = jnp.zeros((rows_t, F), jnp.float32)
    ones_h = jnp.ones((CH,), jnp.float32)
    degp = _make_deg_kernel(nchunk, npad)(dst_r, zeros1_h, ones_h)

    g, dinv = pl.pallas_call(
        _mid_body,
        out_shape=(
            jax.ShapeDtypeStruct((n, F), jnp.float32),
            jax.ShapeDtypeStruct((n, F), jnp.float32),
        ),
    )(x, W, degp)

    accp = _make_scatter_kernel(nchunk, npad)(src_r, dst_r, g, zeros2_h)

    out = pl.pallas_call(
        _final_body,
        out_shape=jax.ShapeDtypeStruct((n, F), jnp.float32),
    )(accp, g, dinv, b.reshape(1, F))
    return out

# --- scband reference (transcript-rebuilt; emitter-appended) ---
"""Pipeline reference for scband-nifty-19928648253614 (READ-ONLY COPY).

The authoritative reference and input builder live on the scoring server;
editing this copy changes nothing except your own understanding.
"""

import jax, jax.numpy as jnp
import numpy as np

N_NODES = 10000
N_EDGES = 320000
F_IN = 128
F_OUT = 16


def setup_inputs(seed: int = 0) -> dict:
    key = jax.random.key(seed)
    k1, k2, k3 = jax.random.split(key, 3)
    x = jax.random.normal(k1, (N_NODES, F_IN), dtype=jnp.float32)
    edge_index = jax.random.randint(k2, (2, N_EDGES), 0, N_NODES, dtype=jnp.int32)
    # GCNConv weight, xavier-uniform init as in NIFTY.weights_init
    limit = float(np.sqrt(6.0 / (F_IN + F_OUT)))
    W = jax.random.uniform(k3, (F_IN, F_OUT), dtype=jnp.float32, minval=-limit, maxval=limit)
    b = jnp.zeros((F_OUT,), dtype=jnp.float32)
    return {"x": x, "edge_index": edge_index, "W": W, "b": b}


def reference(x, edge_index, W, b):
    # NIFTY.forward -> Encoder(base_model='gcn') -> GCN -> single GCNConv(nfeat, num_hidden)
    # GCNConv: add self-loops, h = x @ W, symmetric deg^-1/2 normalization, scatter-add to dst, + bias
    n = x.shape[0]
    src = edge_index[0]
    dst = edge_index[1]
    loop = jnp.arange(n, dtype=src.dtype)
    src = jnp.concatenate([src, loop])
    dst = jnp.concatenate([dst, loop])
    h = x @ W
    deg = jnp.zeros((n,), dtype=x.dtype).at[dst].add(1.0)
    dinv = jnp.where(deg > 0, jax.lax.rsqrt(deg), 0.0)
    norm = dinv[src] * dinv[dst]
    msg = h[src] * norm[:, None]
    out = jnp.zeros((n, h.shape[1]), dtype=x.dtype).at[dst].add(msg)
    return out + b

if __name__ == "__main__":
    import jax
    _d = setup_inputs()
    print(jax.jit(kernel)(*tuple(_d.values())))

</pallas_src>

<mosaic_0001>
#map = affine_map<(d0, d1) -> (0, 0, 0)>
#map1 = affine_map<(d0, d1) -> (0, 0)>
module attributes {stable_mosaic.version = 14 : i64} {
  func.func @scatter_kernel(%arg0: i32, %arg1: i32, %arg2: memref<32x80x128xi32, #tpu.memory_space<hbm>>, %arg3: memref<32x80x128xi32, #tpu.memory_space<hbm>>, %arg4: memref<10000x16xf32, #tpu.memory_space<hbm>>, %arg5: memref<640x16xf32, #tpu.memory_space<hbm>>, %arg6: memref<2x10240x16xf32, #tpu.memory_space<hbm>>, %arg7: memref<80x128xi32, #tpu.memory_space<vmem>>, %arg8: memref<80x128xi32, #tpu.memory_space<vmem>>, %arg9: memref<8x128x16xf32, #tpu.memory_space<vmem>>, %arg10: memref<10240x16xf32, #tpu.memory_space<vmem_shared>>, %arg11: memref<!tpu.dma_semaphore, #tpu.memory_space<semaphore_mem>>, %arg12: memref<!tpu.dma_semaphore, #tpu.memory_space<semaphore_mem>>) attributes {dimension_semantics = [#tpu.dimension_semantics<core_parallel>, #tpu.dimension_semantics<subcore_parallel>], iteration_bounds = array<i64: 2, 16>, scalar_prefetch = 0 : i64, scratch_operands = 6 : i64, tpu.core_type = #tpu.core_type<sc_vector_subcore>, window_params = [{transform_indices = #map}, {transform_indices = #map}, {transform_indices = #map1}, {transform_indices = #map1}, {transform_indices = #map}]} {
    %mul3A = arith.constant 16 : i32
    %mul3A_0 = arith.muli %arg0, %mul3A : i32
    %add3A = arith.addi %mul3A_0, %arg1 : i32
    "tpu.region"() ({
      %run_scoped3A = tpu.sem_alloc : memref<!tpu.dma_semaphore, #tpu.memory_space<semaphore_mem>>
      %dma_start3A = arith.constant 0 : i32
      %dma_start3A_12 = arith.constant 0 : i32
      %dma_start3A_13 = tpu.memref_slice %arg2[%add3A, %dma_start3A, %dma_start3A_12] : memref<32x80x128xi32, #tpu.memory_space<hbm>> -> memref<1x80x128xi32, #tpu.memory_space<hbm>>
      %dma_start3A_14 = tpu.memref_squeeze %dma_start3A_13 : memref<1x80x128xi32, #tpu.memory_space<hbm>> -> memref<80x128xi32, #tpu.memory_space<hbm>>
      %dma_start3A_15 = arith.constant 0 : i32
      %dma_start3A_16 = arith.constant 0 : i32
      %dma_start3A_17 = tpu.memref_slice %arg2[%add3A, %dma_start3A_15, %dma_start3A_16] : memref<32x80x128xi32, #tpu.memory_space<hbm>> -> memref<1x80x128xi32, #tpu.memory_space<hbm>>
      %dma_start3A_18 = tpu.memref_squeeze %dma_start3A_17 : memref<1x80x128xi32, #tpu.memory_space<hbm>> -> memref<80x128xi32, #tpu.memory_space<hbm>>
      tpu.enqueue_dma source(%dma_start3A_18 : memref<80x128xi32, #tpu.memory_space<hbm>>) target(%arg7 : memref<80x128xi32, #tpu.memory_space<vmem>>) target_semaphore(%run_scoped3A : memref<!tpu.dma_semaphore, #tpu.memory_space<semaphore_mem>>)
      %dma_wait3A = arith.constant 0 : i32
      %dma_wait3A_19 = arith.constant 0 : i32
      %dma_wait3A_20 = tpu.memref_slice %arg2[%add3A, %dma_wait3A, %dma_wait3A_19] : memref<32x80x128xi32, #tpu.memory_space<hbm>> -> memref<1x80x128xi32, #tpu.memory_space<hbm>>
      %dma_wait3A_21 = tpu.memref_squeeze %dma_wait3A_20 : memref<1x80x128xi32, #tpu.memory_space<hbm>> -> memref<80x128xi32, #tpu.memory_space<hbm>>
      %dma_wait3A_22 = arith.constant 0 : i32
      %dma_wait3A_23 = arith.constant 0 : i32
      %dma_wait3A_24 = tpu.memref_slice %arg2[%add3A, %dma_wait3A_22, %dma_wait3A_23] : memref<32x80x128xi32, #tpu.memory_space<hbm>> -> memref<1x80x128xi32, #tpu.memory_space<hbm>>
      %dma_wait3A_25 = tpu.memref_squeeze %dma_wait3A_24 : memref<1x80x128xi32, #tpu.memory_space<hbm>> -> memref<80x128xi32, #tpu.memory_space<hbm>>
      tpu.wait_dma2 semaphore(%run_scoped3A : memref<!tpu.dma_semaphore, #tpu.memory_space<semaphore_mem>>) src(%dma_wait3A_25 : memref<80x128xi32, #tpu.memory_space<hbm>>) dst(%arg7 : memref<80x128xi32, #tpu.memory_space<vmem>>)
      tpu.yield
    }) : () -> ()
    "tpu.region"() ({
      %run_scoped3A = tpu.sem_alloc : memref<!tpu.dma_semaphore, #tpu.memory_space<semaphore_mem>>
      %dma_start3A = arith.constant 0 : i32
      %dma_start3A_12 = arith.constant 0 : i32
      %dma_start3A_13 = tpu.memref_slice %arg3[%add3A, %dma_start3A, %dma_start3A_12] : memref<32x80x128xi32, #tpu.memory_space<hbm>> -> memref<1x80x128xi32, #tpu.memory_space<hbm>>
      %dma_start3A_14 = tpu.memref_squeeze %dma_start3A_13 : memref<1x80x128xi32, #tpu.memory_space<hbm>> -> memref<80x128xi32, #tpu.memory_space<hbm>>
      %dma_start3A_15 = arith.constant 0 : i32
      %dma_start3A_16 = arith.constant 0 : i32
      %dma_start3A_17 = tpu.memref_slice %arg3[%add3A, %dma_start3A_15, %dma_start3A_16] : memref<32x80x128xi32, #tpu.memory_space<hbm>> -> memref<1x80x128xi32, #tpu.memory_space<hbm>>
      %dma_start3A_18 = tpu.memref_squeeze %dma_start3A_17 : memref<1x80x128xi32, #tpu.memory_space<hbm>> -> memref<80x128xi32, #tpu.memory_space<hbm>>
      tpu.enqueue_dma source(%dma_start3A_18 : memref<80x128xi32, #tpu.memory_space<hbm>>) target(%arg8 : memref<80x128xi32, #tpu.memory_space<vmem>>) target_semaphore(%run_scoped3A : memref<!tpu.dma_semaphore, #tpu.memory_space<semaphore_mem>>)
      %dma_wait3A = arith.constant 0 : i32
      %dma_wait3A_19 = arith.constant 0 : i32
      %dma_wait3A_20 = tpu.memref_slice %arg3[%add3A, %dma_wait3A, %dma_wait3A_19] : memref<32x80x128xi32, #tpu.memory_space<hbm>> -> memref<1x80x128xi32, #tpu.memory_space<hbm>>
      %dma_wait3A_21 = tpu.memref_squeeze %dma_wait3A_20 : memref<1x80x128xi32, #tpu.memory_space<hbm>> -> memref<80x128xi32, #tpu.memory_space<hbm>>
      %dma_wait3A_22 = arith.constant 0 : i32
      %dma_wait3A_23 = arith.constant 0 : i32
      %dma_wait3A_24 = tpu.memref_slice %arg3[%add3A, %dma_wait3A_22, %dma_wait3A_23] : memref<32x80x128xi32, #tpu.memory_space<hbm>> -> memref<1x80x128xi32, #tpu.memory_space<hbm>>
      %dma_wait3A_25 = tpu.memref_squeeze %dma_wait3A_24 : memref<1x80x128xi32, #tpu.memory_space<hbm>> -> memref<80x128xi32, #tpu.memory_space<hbm>>
      tpu.wait_dma2 semaphore(%run_scoped3A : memref<!tpu.dma_semaphore, #tpu.memory_space<semaphore_mem>>) src(%dma_wait3A_25 : memref<80x128xi32, #tpu.memory_space<hbm>>) dst(%arg8 : memref<80x128xi32, #tpu.memory_space<vmem>>)
      tpu.yield
    }) : () -> ()
    %mul3A_1 = arith.constant 640 : i32
    %mul3A_2 = arith.muli %arg1, %mul3A_1 : i32
    "tpu.region"() ({
      %run_scoped3A = tpu.sem_alloc : memref<!tpu.dma_semaphore, #tpu.memory_space<semaphore_mem>>
      %dma_start3A = arith.constant 0 : i32
      %dma_start3A_12 = tpu.memref_slice %arg10[%mul3A_2, %dma_start3A] : memref<10240x16xf32, #tpu.memory_space<vmem_shared>> -> memref<640x16xf32, #tpu.memory_space<vmem_shared>>
      tpu.enqueue_dma source(%arg5 : memref<640x16xf32, #tpu.memory_space<hbm>>) target(%dma_start3A_12 : memref<640x16xf32, #tpu.memory_space<vmem_shared>>) target_semaphore(%run_scoped3A : memref<!tpu.dma_semaphore, #tpu.memory_space<semaphore_mem>>)
      %dma_wait3A = arith.constant 0 : i32
      %dma_wait3A_13 = tpu.memref_slice %arg10[%mul3A_2, %dma_wait3A] : memref<10240x16xf32, #tpu.memory_space<vmem_shared>> -> memref<640x16xf32, #tpu.memory_space<vmem_shared>>
      tpu.wait_dma2 semaphore(%run_scoped3A : memref<!tpu.dma_semaphore, #tpu.memory_space<semaphore_mem>>) src(%arg5 : memref<640x16xf32, #tpu.memory_space<hbm>>) dst(%dma_wait3A_13 : memref<640x16xf32, #tpu.memory_space<vmem_shared>>)
      tpu.yield
    }) : () -> ()
    %barrier3A = arith.constant 0 : index
    tpu.barrier barrier_id(%barrier3A)
    %scan3A = arith.constant 0 : i32
    %scan3A_3 = arith.constant 10 : i32
    %scan3A_4 = arith.addi %scan3A, %scan3A_3 : i32
    %scan3A_5 = arith.constant 1 : i32
    scf.for %scan3A_12 = %scan3A to %scan3A_4 step %scan3A_5  : i32 {
      %mul3A_13 = arith.constant 8 : i32
      %mul3A_14 = arith.muli %scan3A_12, %mul3A_13 : i32
      %add3A_15 = arith.constant 0 : i32
      %add3A_16 = arith.addi %add3A_15, %mul3A_14 : i32
      %add3A_17 = arith.constant 0 : i32
      %add3A_18 = arith.addi %add3A_16, %add3A_17 : i32
      %dma_start3A = arith.constant 0 : i32
      %dma_start3A_19 = arith.constant 0 : i32
      %dma_start3A_20 = arith.constant 0 : i32
      %dma_start3A_21 = tpu.memref_slice %arg9[%dma_start3A, %dma_start3A_19, %dma_start3A_20] : memref<8x128x16xf32, #tpu.memory_space<vmem>> -> memref<1x128x16xf32, #tpu.memory_space<vmem>>
      %dma_start3A_22 = tpu.memref_squeeze %dma_start3A_21 : memref<1x128x16xf32, #tpu.memory_space<vmem>> -> memref<128x16xf32, #tpu.memory_space<vmem>>
      %dma_start3A_23 = arith.constant 0 : i32
      %dma_start3A_24 = tpu.memref_slice %arg7[%add3A_18, %dma_start3A_23] : memref<80x128xi32, #tpu.memory_space<vmem>> -> memref<1x128xi32, #tpu.memory_space<vmem>>
      %dma_start3A_25 = tpu.memref_squeeze %dma_start3A_24 : memref<1x128xi32, #tpu.memory_space<vmem>> -> memref<128xi32, #tpu.memory_space<vmem>>
      %dma_start3A_26 = arith.constant 0 : i32
      %dma_start3A_27 = arith.constant 0 : i32
      %dma_start3A_28 = tpu.memref_slice %arg4[%dma_start3A_26, %dma_start3A_27] : memref<10000x16xf32, #tpu.memory_space<hbm>> -> memref<10000x16xf32, #tpu.memory_space<hbm>>
      tpu.enqueue_indirect_dma source(%dma_start3A_28 : memref<10000x16xf32, #tpu.memory_space<hbm>>) target(%dma_start3A_22 : memref<128x16xf32, #tpu.memory_space<vmem>>) offsets(%dma_start3A_25 : memref<128xi32, #tpu.memory_space<vmem>>) semaphore(%arg11 : memref<!tpu.dma_semaphore, #tpu.memory_space<semaphore_mem>>)
      %add3A_29 = arith.constant 1 : i32
      %add3A_30 = arith.addi %add3A_16, %add3A_29 : i32
      %dma_start3A_31 = arith.constant 1 : i32
      %dma_start3A_32 = arith.constant 0 : i32
      %dma_start3A_33 = arith.constant 0 : i32
      %dma_start3A_34 = tpu.memref_slice %arg9[%dma_start3A_31, %dma_start3A_32, %dma_start3A_33] : memref<8x128x16xf32, #tpu.memory_space<vmem>> -> memref<1x128x16xf32, #tpu.memory_space<vmem>>
      %dma_start3A_35 = tpu.memref_squeeze %dma_start3A_34 : memref<1x128x16xf32, #tpu.memory_space<vmem>> -> memref<128x16xf32, #tpu.memory_space<vmem>>
      %dma_start3A_36 = arith.constant 0 : i32
      %dma_start3A_37 = tpu.memref_slice %arg7[%add3A_30, %dma_start3A_36] : memref<80x128xi32, #tpu.memory_space<vmem>> -> memref<1x128xi32, #tpu.memory_space<vmem>>
      %dma_start3A_38 = tpu.memref_squeeze %dma_start3A_37 : memref<1x128xi32, #tpu.memory_space<vmem>> -> memref<128xi32, #tpu.memory_space<vmem>>
      %dma_start3A_39 = arith.constant 0 : i32
      %dma_start3A_40 = arith.constant 0 : i32
      %dma_start3A_41 = tpu.memref_slice %arg4[%dma_start3A_39, %dma_start3A_40] : memref<10000x16xf32, #tpu.memory_space<hbm>> -> memref<10000x16xf32, #tpu.memory_space<hbm>>
      tpu.enqueue_indirect_dma source(%dma_start3A_41 : memref<10000x16xf32, #tpu.memory_space<hbm>>) target(%dma_start3A_35 : memref<128x16xf32, #tpu.memory_space<vmem>>) offsets(%dma_start3A_38 : memref<128xi32, #tpu.memory_space<vmem>>) semaphore(%arg11 : memref<!tpu.dma_semaphore, #tpu.memory_space<semaphore_mem>>)
      %add3A_42 = arith.constant 2 : i32
      %add3A_43 = arith.addi %add3A_16, %add3A_42 : i32
      %dma_start3A_44 = arith.constant 2 : i32
      %dma_start3A_45 = arith.constant 0 : i32
      %dma_start3A_46 = arith.constant 0 : i32
      %dma_start3A_47 = tpu.memref_slice %arg9[%dma_start3A_44, %dma_start3A_45, %dma_start3A_46] : memref<8x128x16xf32, #tpu.memory_space<vmem>> -> memref<1x128x16xf32, #tpu.memory_space<vmem>>
      %dma_start3A_48 = tpu.memref_squeeze %dma_start3A_47 : memref<1x128x16xf32, #tpu.memory_space<vmem>> -> memref<128x16xf32, #tpu.memory_space<vmem>>
      %dma_start3A_49 = arith.constant 0 : i32
      %dma_start3A_50 = tpu.memref_slice %arg7[%add3A_43, %dma_start3A_49] : memref<80x128xi32, #tpu.memory_space<vmem>> -> memref<1x128xi32, #tpu.memory_space<vmem>>
      %dma_start3A_51 = tpu.memref_squeeze %dma_start3A_50 : memref<1x128xi32, #tpu.memory_space<vmem>> -> memref<128xi32, #tpu.memory_space<vmem>>
      %dma_start3A_52 = arith.constant 0 : i32
      %dma_start3A_53 = arith.constant 0 : i32
      %dma_start3A_54 = tpu.memref_slice %arg4[%dma_start3A_52, %dma_start3A_53] : memref<10000x16xf32, #tpu.memory_space<hbm>> -> memref<10000x16xf32, #tpu.memory_space<hbm>>
      tpu.enqueue_indirect_dma source(%dma_start3A_54 : memref<10000x16xf32, #tpu.memory_space<hbm>>) target(%dma_start3A_48 : memref<128x16xf32, #tpu.memory_space<vmem>>) offsets(%dma_start3A_51 : memref<128xi32, #tpu.memory_space<vmem>>) semaphore(%arg11 : memref<!tpu.dma_semaphore, #tpu.memory_space<semaphore_mem>>)
      %add3A_55 = arith.constant 3 : i32
      %add3A_56 = arith.addi %add3A_16, %add3A_55 : i32
      %dma_start3A_57 = arith.constant 3 : i32
      %dma_start3A_58 = arith.constant 0 : i32
      %dma_start3A_59 = arith.constant 0 : i32
      %dma_start3A_60 = tpu.memref_slice %arg9[%dma_start3A_57, %dma_start3A_58, %dma_start3A_59] : memref<8x128x16xf32, #tpu.memory_space<vmem>> -> memref<1x128x16xf32, #tpu.memory_space<vmem>>
      %dma_start3A_61 = tpu.memref_squeeze %dma_start3A_60 : memref<1x128x16xf32, #tpu.memory_space<vmem>> -> memref<128x16xf32, #tpu.memory_space<vmem>>
      %dma_start3A_62 = arith.constant 0 : i32
      %dma_start3A_63 = tpu.memref_slice %arg7[%add3A_56, %dma_start3A_62] : memref<80x128xi32, #tpu.memory_space<vmem>> -> memref<1x128xi32, #tpu.memory_space<vmem>>
      %dma_start3A_64 = tpu.memref_squeeze %dma_start3A_63 : memref<1x128xi32, #tpu.memory_space<vmem>> -> memref<128xi32, #tpu.memory_space<vmem>>
      %dma_start3A_65 = arith.constant 0 : i32
      %dma_start3A_66 = arith.constant 0 : i32
      %dma_start3A_67 = tpu.memref_slice %arg4[%dma_start3A_65, %dma_start3A_66] : memref<10000x16xf32, #tpu.memory_space<hbm>> -> memref<10000x16xf32, #tpu.memory_space<hbm>>
      tpu.enqueue_indirect_dma source(%dma_start3A_67 : memref<10000x16xf32, #tpu.memory_space<hbm>>) target(%dma_start3A_61 : memref<128x16xf32, #tpu.memory_space<vmem>>) offsets(%dma_start3A_64 : memref<128xi32, #tpu.memory_space<vmem>>) semaphore(%arg11 : memref<!tpu.dma_semaphore, #tpu.memory_space<semaphore_mem>>)
      %add3A_68 = arith.constant 4 : i32
      %add3A_69 = arith.addi %add3A_16, %add3A_68 : i32
      %dma_start3A_70 = arith.constant 4 : i32
      %dma_start3A_71 = arith.constant 0 : i32
      %dma_start3A_72 = arith.constant 0 : i32
      %dma_start3A_73 = tpu.memref_slice %arg9[%dma_start3A_70, %dma_start3A_71, %dma_start3A_72] : memref<8x128x16xf32, #tpu.memory_space<vmem>> -> memref<1x128x16xf32, #tpu.memory_space<vmem>>
      %dma_start3A_74 = tpu.memref_squeeze %dma_start3A_73 : memref<1x128x16xf32, #tpu.memory_space<vmem>> -> memref<128x16xf32, #tpu.memory_space<vmem>>
      %dma_start3A_75 = arith.constant 0 : i32
      %dma_start3A_76 = tpu.memref_slice %arg7[%add3A_69, %dma_start3A_75] : memref<80x128xi32, #tpu.memory_space<vmem>> -> memref<1x128xi32, #tpu.memory_space<vmem>>
      %dma_start3A_77 = tpu.memref_squeeze %dma_start3A_76 : memref<1x128xi32, #tpu.memory_space<vmem>> -> memref<128xi32, #tpu.memory_space<vmem>>
      %dma_start3A_78 = arith.constant 0 : i32
      %dma_start3A_79 = arith.constant 0 : i32
      %dma_start3A_80 = tpu.memref_slice %arg4[%dma_start3A_78, %dma_start3A_79] : memref<10000x16xf32, #tpu.memory_space<hbm>> -> memref<10000x16xf32, #tpu.memory_space<hbm>>
      tpu.enqueue_indirect_dma source(%dma_start3A_80 : memref<10000x16xf32, #tpu.memory_space<hbm>>) target(%dma_start3A_74 : memref<128x16xf32, #tpu.memory_space<vmem>>) offsets(%dma_start3A_77 : memref<128xi32, #tpu.memory_space<vmem>>) semaphore(%arg11 : memref<!tpu.dma_semaphore, #tpu.memory_space<semaphore_mem>>)
      %add3A_81 = arith.constant 5 : i32
      %add3A_82 = arith.addi %add3A_16, %add3A_81 : i32
      %dma_start3A_83 = arith.constant 5 : i32
      %dma_start3A_84 = arith.constant 0 : i32
      %dma_start3A_85 = arith.constant 0 : i32
      %dma_start3A_86 = tpu.memref_slice %arg9[%dma_start3A_83, %dma_start3A_84, %dma_start3A_85] : memref<8x128x16xf32, #tpu.memory_space<vmem>> -> memref<1x128x16xf32, #tpu.memory_space<vmem>>
      %dma_start3A_87 = tpu.memref_squeeze %dma_start3A_86 : memref<1x128x16xf32, #tpu.memory_space<vmem>> -> memref<128x16xf32, #tpu.memory_space<vmem>>
      %dma_start3A_88 = arith.constant 0 : i32
      %dma_start3A_89 = tpu.memref_slice %arg7[%add3A_82, %dma_start3A_88] : memref<80x128xi32, #tpu.memory_space<vmem>> -> memref<1x128xi32, #tpu.memory_space<vmem>>
      %dma_start3A_90 = tpu.memref_squeeze %dma_start3A_89 : memref<1x128xi32, #tpu.memory_space<vmem>> -> memref<128xi32, #tpu.memory_space<vmem>>
      %dma_start3A_91 = arith.constant 0 : i32
      %dma_start3A_92 = arith.constant 0 : i32
      %dma_start3A_93 = tpu.memref_slice %arg4[%dma_start3A_91, %dma_start3A_92] : memref<10000x16xf32, #tpu.memory_space<hbm>> -> memref<10000x16xf32, #tpu.memory_space<hbm>>
      tpu.enqueue_indirect_dma source(%dma_start3A_93 : memref<10000x16xf32, #tpu.memory_space<hbm>>) target(%dma_start3A_87 : memref<128x16xf32, #tpu.memory_space<vmem>>) offsets(%dma_start3A_90 : memref<128xi32, #tpu.memory_space<vmem>>) semaphore(%arg11 : memref<!tpu.dma_semaphore, #tpu.memory_space<semaphore_mem>>)
      %add3A_94 = arith.constant 6 : i32
      %add3A_95 = arith.addi %add3A_16, %add3A_94 : i32
      %dma_start3A_96 = arith.constant 6 : i32
      %dma_start3A_97 = arith.constant 0 : i32
      %dma_start3A_98 = arith.constant 0 : i32
      %dma_start3A_99 = tpu.memref_slice %arg9[%dma_start3A_96, %dma_start3A_97, %dma_start3A_98] : memref<8x128x16xf32, #tpu.memory_space<vmem>> -> memref<1x128x16xf32, #tpu.memory_space<vmem>>
      %dma_start3A_100 = tpu.memref_squeeze %dma_start3A_99 : memref<1x128x16xf32, #tpu.memory_space<vmem>> -> memref<128x16xf32, #tpu.memory_space<vmem>>
      %dma_start3A_101 = arith.constant 0 : i32
      %dma_start3A_102 = tpu.memref_slice %arg7[%add3A_95, %dma_start3A_101] : memref<80x128xi32, #tpu.memory_space<vmem>> -> memref<1x128xi32, #tpu.memory_space<vmem>>
      %dma_start3A_103 = tpu.memref_squeeze %dma_start3A_102 : memref<1x128xi32, #tpu.memory_space<vmem>> -> memref<128xi32, #tpu.memory_space<vmem>>
      %dma_start3A_104 = arith.constant 0 : i32
      %dma_start3A_105 = arith.constant 0 : i32
      %dma_start3A_106 = tpu.memref_slice %arg4[%dma_start3A_104, %dma_start3A_105] : memref<10000x16xf32, #tpu.memory_space<hbm>> -> memref<10000x16xf32, #tpu.memory_space<hbm>>
      tpu.enqueue_indirect_dma source(%dma_start3A_106 : memref<10000x16xf32, #tpu.memory_space<hbm>>) target(%dma_start3A_100 : memref<128x16xf32, #tpu.memory_space<vmem>>) offsets(%dma_start3A_103 : memref<128xi32, #tpu.memory_space<vmem>>) semaphore(%arg11 : memref<!tpu.dma_semaphore, #tpu.memory_space<semaphore_mem>>)
      %add3A_107 = arith.constant 7 : i32
      %add3A_108 = arith.addi %add3A_16, %add3A_107 : i32
      %dma_start3A_109 = arith.constant 7 : i32
      %dma_start3A_110 = arith.constant 0 : i32
      %dma_start3A_111 = arith.constant 0 : i32
      %dma_start3A_112 = tpu.memref_slice %arg9[%dma_start3A_109, %dma_start3A_110, %dma_start3A_111] : memref<8x128x16xf32, #tpu.memory_space<vmem>> -> memref<1x128x16xf32, #tpu.memory_space<vmem>>
      %dma_start3A_113 = tpu.memref_squeeze %dma_start3A_112 : memref<1x128x16xf32, #tpu.memory_space<vmem>> -> memref<128x16xf32, #tpu.memory_space<vmem>>
      %dma_start3A_114 = arith.constant 0 : i32
      %dma_start3A_115 = tpu.memref_slice %arg7[%add3A_108, %dma_start3A_114] : memref<80x128xi32, #tpu.memory_space<vmem>> -> memref<1x128xi32, #tpu.memory_space<vmem>>
      %dma_start3A_116 = tpu.memref_squeeze %dma_start3A_115 : memref<1x128xi32, #tpu.memory_space<vmem>> -> memref<128xi32, #tpu.memory_space<vmem>>
      %dma_start3A_117 = arith.constant 0 : i32
      %dma_start3A_118 = arith.constant 0 : i32
      %dma_start3A_119 = tpu.memref_slice %arg4[%dma_start3A_117, %dma_start3A_118] : memref<10000x16xf32, #tpu.memory_space<hbm>> -> memref<10000x16xf32, #tpu.memory_space<hbm>>
      tpu.enqueue_indirect_dma source(%dma_start3A_119 : memref<10000x16xf32, #tpu.memory_space<hbm>>) target(%dma_start3A_113 : memref<128x16xf32, #tpu.memory_space<vmem>>) offsets(%dma_start3A_116 : memref<128xi32, #tpu.memory_space<vmem>>) semaphore(%arg11 : memref<!tpu.dma_semaphore, #tpu.memory_space<semaphore_mem>>)
      %add3A_120 = arith.constant 0 : i32
      %add3A_121 = arith.addi %add3A_16, %add3A_120 : i32
      %dma_wait3A = arith.constant 0 : i32
      %dma_wait3A_122 = arith.constant 0 : i32
      %dma_wait3A_123 = arith.constant 0 : i32
      %dma_wait3A_124 = tpu.memref_slice %arg9[%dma_wait3A, %dma_wait3A_122, %dma_wait3A_123] : memref<8x128x16xf32, #tpu.memory_space<vmem>> -> memref<1x128x16xf32, #tpu.memory_space<vmem>>
      %dma_wait3A_125 = tpu.memref_squeeze %dma_wait3A_124 : memref<1x128x16xf32, #tpu.memory_space<vmem>> -> memref<128x16xf32, #tpu.memory_space<vmem>>
      %dma_wait3A_126 = arith.constant 0 : i32
      %dma_wait3A_127 = tpu.memref_slice %arg7[%add3A_121, %dma_wait3A_126] : memref<80x128xi32, #tpu.memory_space<vmem>> -> memref<1x128xi32, #tpu.memory_space<vmem>>
      %dma_wait3A_128 = tpu.memref_squeeze %dma_wait3A_127 : memref<1x128xi32, #tpu.memory_space<vmem>> -> memref<128xi32, #tpu.memory_space<vmem>>
      %dma_wait3A_129 = arith.constant 0 : i32
      %dma_wait3A_130 = arith.constant 0 : i32
      %dma_wait3A_131 = tpu.memref_slice %arg4[%dma_wait3A_129, %dma_wait3A_130] : memref<10000x16xf32, #tpu.memory_space<hbm>> -> memref<10000x16xf32, #tpu.memory_space<hbm>>
      tpu.wait_indirect_dma semaphore(%arg11 : memref<!tpu.dma_semaphore, #tpu.memory_space<semaphore_mem>>) src(%dma_wait3A_131 : memref<10000x16xf32, #tpu.memory_space<hbm>>) dst(%dma_wait3A_125 : memref<128x16xf32, #tpu.memory_space<vmem>>)
      %add3A_132 = arith.constant 1 : i32
      %add3A_133 = arith.addi %add3A_16, %add3A_132 : i32
      %dma_wait3A_134 = arith.constant 1 : i32
      %dma_wait3A_135 = arith.constant 0 : i32
      %dma_wait3A_136 = arith.constant 0 : i32
      %dma_wait3A_137 = tpu.memref_slice %arg9[%dma_wait3A_134, %dma_wait3A_135, %dma_wait3A_136] : memref<8x128x16xf32, #tpu.memory_space<vmem>> -> memref<1x128x16xf32, #tpu.memory_space<vmem>>
      %dma_wait3A_138 = tpu.memref_squeeze %dma_wait3A_137 : memref<1x128x16xf32, #tpu.memory_space<vmem>> -> memref<128x16xf32, #tpu.memory_space<vmem>>
      %dma_wait3A_139 = arith.constant 0 : i32
      %dma_wait3A_140 = tpu.memref_slice %arg7[%add3A_133, %dma_wait3A_139] : memref<80x128xi32, #tpu.memory_space<vmem>> -> memref<1x128xi32, #tpu.memory_space<vmem>>
      %dma_wait3A_141 = tpu.memref_squeeze %dma_wait3A_140 : memref<1x128xi32, #tpu.memory_space<vmem>> -> memref<128xi32, #tpu.memory_space<vmem>>
      %dma_wait3A_142 = arith.constant 0 : i32
      %dma_wait3A_143 = arith.constant 0 : i32
      %dma_wait3A_144 = tpu.memref_slice %arg4[%dma_wait3A_142, %dma_wait3A_143] : memref<10000x16xf32, #tpu.memory_space<hbm>> -> memref<10000x16xf32, #tpu.memory_space<hbm>>
      tpu.wait_indirect_dma semaphore(%arg11 : memref<!tpu.dma_semaphore, #tpu.memory_space<semaphore_mem>>) src(%dma_wait3A_144 : memref<10000x16xf32, #tpu.memory_space<hbm>>) dst(%dma_wait3A_138 : memref<128x16xf32, #tpu.memory_space<vmem>>)
      %add3A_145 = arith.constant 2 : i32
      %add3A_146 = arith.addi %add3A_16, %add3A_145 : i32
      %dma_wait3A_147 = arith.constant 2 : i32
      %dma_wait3A_148 = arith.constant 0 : i32
      %dma_wait3A_149 = arith.constant 0 : i32
      %dma_wait3A_150 = tpu.memref_slice %arg9[%dma_wait3A_147, %dma_wait3A_148, %dma_wait3A_149] : memref<8x128x16xf32, #tpu.memory_space<vmem>> -> memref<1x128x16xf32, #tpu.memory_space<vmem>>
      %dma_wait3A_151 = tpu.memref_squeeze %dma_wait3A_150 : memref<1x128x16xf32, #tpu.memory_space<vmem>> -> memref<128x16xf32, #tpu.memory_space<vmem>>
      %dma_wait3A_152 = arith.constant 0 : i32
      %dma_wait3A_153 = tpu.memref_slice %arg7[%add3A_146, %dma_wait3A_152] : memref<80x128xi32, #tpu.memory_space<vmem>> -> memref<1x128xi32, #tpu.memory_space<vmem>>
      %dma_wait3A_154 = tpu.memref_squeeze %dma_wait3A_153 : memref<1x128xi32, #tpu.memory_space<vmem>> -> memref<128xi32, #tpu.memory_space<vmem>>
      %dma_wait3A_155 = arith.constant 0 : i32
      %dma_wait3A_156 = arith.constant 0 : i32
      %dma_wait3A_157 = tpu.memref_slice %arg4[%dma_wait3A_155, %dma_wait3A_156] : memref<10000x16xf32, #tpu.memory_space<hbm>> -> memref<10000x16xf32, #tpu.memory_space<hbm>>
      tpu.wait_indirect_dma semaphore(%arg11 : memref<!tpu.dma_semaphore, #tpu.memory_space<semaphore_mem>>) src(%dma_wait3A_157 : memref<10000x16xf32, #tpu.memory_space<hbm>>) dst(%dma_wait3A_151 : memref<128x16xf32, #tpu.memory_space<vmem>>)
      %add3A_158 = arith.constant 3 : i32
      %add3A_159 = arith.addi %add3A_16, %add3A_158 : i32
      %dma_wait3A_160 = arith.constant 3 : i32
      %dma_wait3A_161 = arith.constant 0 : i32
      %dma_wait3A_162 = arith.constant 0 : i32
      %dma_wait3A_163 = tpu.memref_slice %arg9[%dma_wait3A_160, %dma_wait3A_161, %dma_wait3A_162] : memref<8x128x16xf32, #tpu.memory_space<vmem>> -> memref<1x128x16xf32, #tpu.memory_space<vmem>>
      %dma_wait3A_164 = tpu.memref_squeeze %dma_wait3A_163 : memref<1x128x16xf32, #tpu.memory_space<vmem>> -> memref<128x16xf32, #tpu.memory_space<vmem>>
      %dma_wait3A_165 = arith.constant 0 : i32
      %dma_wait3A_166 = tpu.memref_slice %arg7[%add3A_159, %dma_wait3A_165] : memref<80x128xi32, #tpu.memory_space<vmem>> -> memref<1x128xi32, #tpu.memory_space<vmem>>
      %dma_wait3A_167 = tpu.memref_squeeze %dma_wait3A_166 : memref<1x128xi32, #tpu.memory_space<vmem>> -> memref<128xi32, #tpu.memory_space<vmem>>
      %dma_wait3A_168 = arith.constant 0 : i32
      %dma_wait3A_169 = arith.constant 0 : i32
      %dma_wait3A_170 = tpu.memref_slice %arg4[%dma_wait3A_168, %dma_wait3A_169] : memref<10000x16xf32, #tpu.memory_space<hbm>> -> memref<10000x16xf32, #tpu.memory_space<hbm>>
      tpu.wait_indirect_dma semaphore(%arg11 : memref<!tpu.dma_semaphore, #tpu.memory_space<semaphore_mem>>) src(%dma_wait3A_170 : memref<10000x16xf32, #tpu.memory_space<hbm>>) dst(%dma_wait3A_164 : memref<128x16xf32, #tpu.memory_space<vmem>>)
      %add3A_171 = arith.constant 4 : i32
      %add3A_172 = arith.addi %add3A_16, %add3A_171 : i32
      %dma_wait3A_173 = arith.constant 4 : i32
      %dma_wait3A_174 = arith.constant 0 : i32
      %dma_wait3A_175 = arith.constant 0 : i32
      %dma_wait3A_176 = tpu.memref_slice %arg9[%dma_wait3A_173, %dma_wait3A_174, %dma_wait3A_175] : memref<8x128x16xf32, #tpu.memory_space<vmem>> -> memref<1x128x16xf32, #tpu.memory_space<vmem>>
      %dma_wait3A_177 = tpu.memref_squeeze %dma_wait3A_176 : memref<1x128x16xf32, #tpu.memory_space<vmem>> -> memref<128x16xf32, #tpu.memory_space<vmem>>
      %dma_wait3A_178 = arith.constant 0 : i32
      %dma_wait3A_179 = tpu.memref_slice %arg7[%add3A_172, %dma_wait3A_178] : memref<80x128xi32, #tpu.memory_space<vmem>> -> memref<1x128xi32, #tpu.memory_space<vmem>>
      %dma_wait3A_180 = tpu.memref_squeeze %dma_wait3A_179 : memref<1x128xi32, #tpu.memory_space<vmem>> -> memref<128xi32, #tpu.memory_space<vmem>>
      %dma_wait3A_181 = arith.constant 0 : i32
      %dma_wait3A_182 = arith.constant 0 : i32
      %dma_wait3A_183 = tpu.memref_slice %arg4[%dma_wait3A_181, %dma_wait3A_182] : memref<10000x16xf32, #tpu.memory_space<hbm>> -> memref<10000x16xf32, #tpu.memory_space<hbm>>
      tpu.wait_indirect_dma semaphore(%arg11 : memref<!tpu.dma_semaphore, #tpu.memory_space<semaphore_mem>>) src(%dma_wait3A_183 : memref<10000x16xf32, #tpu.memory_space<hbm>>) dst(%dma_wait3A_177 : memref<128x16xf32, #tpu.memory_space<vmem>>)
      %add3A_184 = arith.constant 5 : i32
      %add3A_185 = arith.addi %add3A_16, %add3A_184 : i32
      %dma_wait3A_186 = arith.constant 5 : i32
      %dma_wait3A_187 = arith.constant 0 : i32
      %dma_wait3A_188 = arith.constant 0 : i32
      %dma_wait3A_189 = tpu.memref_slice %arg9[%dma_wait3A_186, %dma_wait3A_187, %dma_wait3A_188] : memref<8x128x16xf32, #tpu.memory_space<vmem>> -> memref<1x128x16xf32, #tpu.memory_space<vmem>>
      %dma_wait3A_190 = tpu.memref_squeeze %dma_wait3A_189 : memref<1x128x16xf32, #tpu.memory_space<vmem>> -> memref<128x16xf32, #tpu.memory_space<vmem>>
      %dma_wait3A_191 = arith.constant 0 : i32
      %dma_wait3A_192 = tpu.memref_slice %arg7[%add3A_185, %dma_wait3A_191] : memref<80x128xi32, #tpu.memory_space<vmem>> -> memref<1x128xi32, #tpu.memory_space<vmem>>
      %dma_wait3A_193 = tpu.memref_squeeze %dma_wait3A_192 : memref<1x128xi32, #tpu.memory_space<vmem>> -> memref<128xi32, #tpu.memory_space<vmem>>
      %dma_wait3A_194 = arith.constant 0 : i32
      %dma_wait3A_195 = arith.constant 0 : i32
      %dma_wait3A_196 = tpu.memref_slice %arg4[%dma_wait3A_194, %dma_wait3A_195] : memref<10000x16xf32, #tpu.memory_space<hbm>> -> memref<10000x16xf32, #tpu.memory_space<hbm>>
      tpu.wait_indirect_dma semaphore(%arg11 : memref<!tpu.dma_semaphore, #tpu.memory_space<semaphore_mem>>) src(%dma_wait3A_196 : memref<10000x16xf32, #tpu.memory_space<hbm>>) dst(%dma_wait3A_190 : memref<128x16xf32, #tpu.memory_space<vmem>>)
      %add3A_197 = arith.constant 6 : i32
      %add3A_198 = arith.addi %add3A_16, %add3A_197 : i32
      %dma_wait3A_199 = arith.constant 6 : i32
      %dma_wait3A_200 = arith.constant 0 : i32
      %dma_wait3A_201 = arith.constant 0 : i32
      %dma_wait3A_202 = tpu.memref_slice %arg9[%dma_wait3A_199, %dma_wait3A_200, %dma_wait3A_201] : memref<8x128x16xf32, #tpu.memory_space<vmem>> -> memref<1x128x16xf32, #tpu.memory_space<vmem>>
      %dma_wait3A_203 = tpu.memref_squeeze %dma_wait3A_202 : memref<1x128x16xf32, #tpu.memory_space<vmem>> -> memref<128x16xf32, #tpu.memory_space<vmem>>
      %dma_wait3A_204 = arith.constant 0 : i32
      %dma_wait3A_205 = tpu.memref_slice %arg7[%add3A_198, %dma_wait3A_204] : memref<80x128xi32, #tpu.memory_space<vmem>> -> memref<1x128xi32, #tpu.memory_space<vmem>>
      %dma_wait3A_206 = tpu.memref_squeeze %dma_wait3A_205 : memref<1x128xi32, #tpu.memory_space<vmem>> -> memref<128xi32, #tpu.memory_space<vmem>>
      %dma_wait3A_207 = arith.constant 0 : i32
      %dma_wait3A_208 = arith.constant 0 : i32
      %dma_wait3A_209 = tpu.memref_slice %arg4[%dma_wait3A_207, %dma_wait3A_208] : memref<10000x16xf32, #tpu.memory_space<hbm>> -> memref<10000x16xf32, #tpu.memory_space<hbm>>
      tpu.wait_indirect_dma semaphore(%arg11 : memref<!tpu.dma_semaphore, #tpu.memory_space<semaphore_mem>>) src(%dma_wait3A_209 : memref<10000x16xf32, #tpu.memory_space<hbm>>) dst(%dma_wait3A_203 : memref<128x16xf32, #tpu.memory_space<vmem>>)
      %add3A_210 = arith.constant 7 : i32
      %add3A_211 = arith.addi %add3A_16, %add3A_210 : i32
      %dma_wait3A_212 = arith.constant 7 : i32
      %dma_wait3A_213 = arith.constant 0 : i32
      %dma_wait3A_214 = arith.constant 0 : i32
      %dma_wait3A_215 = tpu.memref_slice %arg9[%dma_wait3A_212, %dma_wait3A_213, %dma_wait3A_214] : memref<8x128x16xf32, #tpu.memory_space<vmem>> -> memref<1x128x16xf32, #tpu.memory_space<vmem>>
      %dma_wait3A_216 = tpu.memref_squeeze %dma_wait3A_215 : memref<1x128x16xf32, #tpu.memory_space<vmem>> -> memref<128x16xf32, #tpu.memory_space<vmem>>
      %dma_wait3A_217 = arith.constant 0 : i32
      %dma_wait3A_218 = tpu.memref_slice %arg7[%add3A_211, %dma_wait3A_217] : memref<80x128xi32, #tpu.memory_space<vmem>> -> memref<1x128xi32, #tpu.memory_space<vmem>>
      %dma_wait3A_219 = tpu.memref_squeeze %dma_wait3A_218 : memref<1x128xi32, #tpu.memory_space<vmem>> -> memref<128xi32, #tpu.memory_space<vmem>>
      %dma_wait3A_220 = arith.constant 0 : i32
      %dma_wait3A_221 = arith.constant 0 : i32
      %dma_wait3A_222 = tpu.memref_slice %arg4[%dma_wait3A_220, %dma_wait3A_221] : memref<10000x16xf32, #tpu.memory_space<hbm>> -> memref<10000x16xf32, #tpu.memory_space<hbm>>
      tpu.wait_indirect_dma semaphore(%arg11 : memref<!tpu.dma_semaphore, #tpu.memory_space<semaphore_mem>>) src(%dma_wait3A_222 : memref<10000x16xf32, #tpu.memory_space<hbm>>) dst(%dma_wait3A_216 : memref<128x16xf32, #tpu.memory_space<vmem>>)
      %add3A_223 = arith.constant 0 : i32
      %add3A_224 = arith.addi %add3A_16, %add3A_223 : i32
      %dma_start3A_225 = arith.constant 0 : i32
      %dma_start3A_226 = arith.constant 0 : i32
      %dma_start3A_227 = arith.constant 0 : i32
      %dma_start3A_228 = tpu.memref_slice %arg9[%dma_start3A_225, %dma_start3A_226, %dma_start3A_227] : memref<8x128x16xf32, #tpu.memory_space<vmem>> -> memref<1x128x16xf32, #tpu.memory_space<vmem>>
      %dma_start3A_229 = tpu.memref_squeeze %dma_start3A_228 : memref<1x128x16xf32, #tpu.memory_space<vmem>> -> memref<128x16xf32, #tpu.memory_space<vmem>>
      %dma_start3A_230 = arith.constant 0 : i32
      %dma_start3A_231 = tpu.memref_slice %arg8[%add3A_224, %dma_start3A_230] : memref<80x128xi32, #tpu.memory_space<vmem>> -> memref<1x128xi32, #tpu.memory_space<vmem>>
      %dma_start3A_232 = tpu.memref_squeeze %dma_start3A_231 : memref<1x128xi32, #tpu.memory_space<vmem>> -> memref<128xi32, #tpu.memory_space<vmem>>
      %dma_start3A_233 = arith.constant 0 : i32
      %dma_start3A_234 = arith.constant 0 : i32
      %dma_start3A_235 = tpu.memref_slice %arg10[%dma_start3A_233, %dma_start3A_234] : memref<10240x16xf32, #tpu.memory_space<vmem_shared>> -> memref<10240x16xf32, #tpu.memory_space<vmem_shared>>
      tpu.enqueue_indirect_dma source(%dma_start3A_229 : memref<128x16xf32, #tpu.memory_space<vmem>>) target(%dma_start3A_235 : memref<10240x16xf32, #tpu.memory_space<vmem_shared>>) offsets(%dma_start3A_232 : memref<128xi32, #tpu.memory_space<vmem>>) semaphore(%arg12 : memref<!tpu.dma_semaphore, #tpu.memory_space<semaphore_mem>>) {add = true}
      %add3A_236 = arith.constant 1 : i32
      %add3A_237 = arith.addi %add3A_16, %add3A_236 : i32
      %dma_start3A_238 = arith.constant 1 : i32
      %dma_start3A_239 = arith.constant 0 : i32
      %dma_start3A_240 = arith.constant 0 : i32
      %dma_start3A_241 = tpu.memref_slice %arg9[%dma_start3A_238, %dma_start3A_239, %dma_start3A_240] : memref<8x128x16xf32, #tpu.memory_space<vmem>> -> memref<1x128x16xf32, #tpu.memory_space<vmem>>
      %dma_start3A_242 = tpu.memref_squeeze %dma_start3A_241 : memref<1x128x16xf32, #tpu.memory_space<vmem>> -> memref<128x16xf32, #tpu.memory_space<vmem>>
      %dma_start3A_243 = arith.constant 0 : i32
      %dma_start3A_244 = tpu.memref_slice %arg8[%add3A_237, %dma_start3A_243] : memref<80x128xi32, #tpu.memory_space<vmem>> -> memref<1x128xi32, #tpu.memory_space<vmem>>
      %dma_start3A_245 = tpu.memref_squeeze %dma_start3A_244 : memref<1x128xi32, #tpu.memory_space<vmem>> -> memref<128xi32, #tpu.memory_space<vmem>>
      %dma_start3A_246 = arith.constant 0 : i32
      %dma_start3A_247 = arith.constant 0 : i32
      %dma_start3A_248 = tpu.memref_slice %arg10[%dma_start3A_246, %dma_start3A_247] : memref<10240x16xf32, #tpu.memory_space<vmem_shared>> -> memref<10240x16xf32, #tpu.memory_space<vmem_shared>>
      tpu.enqueue_indirect_dma source(%dma_start3A_242 : memref<128x16xf32, #tpu.memory_space<vmem>>) target(%dma_start3A_248 : memref<10240x16xf32, #tpu.memory_space<vmem_shared>>) offsets(%dma_start3A_245 : memref<128xi32, #tpu.memory_space<vmem>>) semaphore(%arg12 : memref<!tpu.dma_semaphore, #tpu.memory_space<semaphore_mem>>) {add = true}
      %add3A_249 = arith.constant 2 : i32
      %add3A_250 = arith.addi %add3A_16, %add3A_249 : i32
      %dma_start3A_251 = arith.constant 2 : i32
      %dma_start3A_252 = arith.constant 0 : i32
      %dma_start3A_253 = arith.constant 0 : i32
      %dma_start3A_254 = tpu.memref_slice %arg9[%dma_start3A_251, %dma_start3A_252, %dma_start3A_253] : memref<8x128x16xf32, #tpu.memory_space<vmem>> -> memref<1x128x16xf32, #tpu.memory_space<vmem>>
      %dma_start3A_255 = tpu.memref_squeeze %dma_start3A_254 : memref<1x128x16xf32, #tpu.memory_space<vmem>> -> memref<128x16xf32, #tpu.memory_space<vmem>>
      %dma_start3A_256 = arith.constant 0 : i32
      %dma_start3A_257 = tpu.memref_slice %arg8[%add3A_250, %dma_start3A_256] : memref<80x128xi32, #tpu.memory_space<vmem>> -> memref<1x128xi32, #tpu.memory_space<vmem>>
      %dma_start3A_258 = tpu.memref_squeeze %dma_start3A_257 : memref<1x128xi32, #tpu.memory_space<vmem>> -> memref<128xi32, #tpu.memory_space<vmem>>
      %dma_start3A_259 = arith.constant 0 : i32
      %dma_start3A_260 = arith.constant 0 : i32
      %dma_start3A_261 = tpu.memref_slice %arg10[%dma_start3A_259, %dma_start3A_260] : memref<10240x16xf32, #tpu.memory_space<vmem_shared>> -> memref<10240x16xf32, #tpu.memory_space<vmem_shared>>
      tpu.enqueue_indirect_dma source(%dma_start3A_255 : memref<128x16xf32, #tpu.memory_space<vmem>>) target(%dma_start3A_261 : memref<10240x16xf32, #tpu.memory_space<vmem_shared>>) offsets(%dma_start3A_258 : memref<128xi32, #tpu.memory_space<vmem>>) semaphore(%arg12 : memref<!tpu.dma_semaphore, #tpu.memory_space<semaphore_mem>>) {add = true}
      %add3A_262 = arith.constant 3 : i32
      %add3A_263 = arith.addi %add3A_16, %add3A_262 : i32
      %dma_start3A_264 = arith.constant 3 : i32
      %dma_start3A_265 = arith.constant 0 : i32
      %dma_start3A_266 = arith.constant 0 : i32
      %dma_start3A_267 = tpu.memref_slice %arg9[%dma_start3A_264, %dma_start3A_265, %dma_start3A_266] : memref<8x128x16xf32, #tpu.memory_space<vmem>> -> memref<1x128x16xf32, #tpu.memory_space<vmem>>
      %dma_start3A_268 = tpu.memref_squeeze %dma_start3A_267 : memref<1x128x16xf32, #tpu.memory_space<vmem>> -> memref<128x16xf32, #tpu.memory_space<vmem>>
      %dma_start3A_269 = arith.constant 0 : i32
      %dma_start3A_270 = tpu.memref_slice %arg8[%add3A_263, %dma_start3A_269] : memref<80x128xi32, #tpu.memory_space<vmem>> -> memref<1x128xi32, #tpu.memory_space<vmem>>
      %dma_start3A_271 = tpu.memref_squeeze %dma_start3A_270 : memref<1x128xi32, #tpu.memory_space<vmem>> -> memref<128xi32, #tpu.memory_space<vmem>>
      %dma_start3A_272 = arith.constant 0 : i32
      %dma_start3A_273 = arith.constant 0 : i32
      %dma_start3A_274 = tpu.memref_slice %arg10[%dma_start3A_272, %dma_start3A_273] : memref<10240x16xf32, #tpu.memory_space<vmem_shared>> -> memref<10240x16xf32, #tpu.memory_space<vmem_shared>>
      tpu.enqueue_indirect_dma source(%dma_start3A_268 : memref<128x16xf32, #tpu.memory_space<vmem>>) target(%dma_start3A_274 : memref<10240x16xf32, #tpu.memory_space<vmem_shared>>) offsets(%dma_start3A_271 : memref<128xi32, #tpu.memory_space<vmem>>) semaphore(%arg12 : memref<!tpu.dma_semaphore, #tpu.memory_space<semaphore_mem>>) {add = true}
      %add3A_275 = arith.constant 4 : i32
      %add3A_276 = arith.addi %add3A_16, %add3A_275 : i32
      %dma_start3A_277 = arith.constant 4 : i32
      %dma_start3A_278 = arith.constant 0 : i32
      %dma_start3A_279 = arith.constant 0 : i32
      %dma_start3A_280 = tpu.memref_slice %arg9[%dma_start3A_277, %dma_start3A_278, %dma_start3A_279] : memref<8x128x16xf32, #tpu.memory_space<vmem>> -> memref<1x128x16xf32, #tpu.memory_space<vmem>>
      %dma_start3A_281 = tpu.memref_squeeze %dma_start3A_280 : memref<1x128x16xf32, #tpu.memory_space<vmem>> -> memref<128x16xf32, #tpu.memory_space<vmem>>
      %dma_start3A_282 = arith.constant 0 : i32
      %dma_start3A_283 = tpu.memref_slice %arg8[%add3A_276, %dma_start3A_282] : memref<80x128xi32, #tpu.memory_space<vmem>> -> memref<1x128xi32, #tpu.memory_space<vmem>>
      %dma_start3A_284 = tpu.memref_squeeze %dma_start3A_283 : memref<1x128xi32, #tpu.memory_space<vmem>> -> memref<128xi32, #tpu.memory_space<vmem>>
      %dma_start3A_285 = arith.constant 0 : i32
      %dma_start3A_286 = arith.constant 0 : i32
      %dma_start3A_287 = tpu.memref_slice %arg10[%dma_start3A_285, %dma_start3A_286] : memref<10240x16xf32, #tpu.memory_space<vmem_shared>> -> memref<10240x16xf32, #tpu.memory_space<vmem_shared>>
      tpu.enqueue_indirect_dma source(%dma_start3A_281 : memref<128x16xf32, #tpu.memory_space<vmem>>) target(%dma_start3A_287 : memref<10240x16xf32, #tpu.memory_space<vmem_shared>>) offsets(%dma_start3A_284 : memref<128xi32, #tpu.memory_space<vmem>>) semaphore(%arg12 : memref<!tpu.dma_semaphore, #tpu.memory_space<semaphore_mem>>) {add = true}
      %add3A_288 = arith.constant 5 : i32
      %add3A_289 = arith.addi %add3A_16, %add3A_288 : i32
      %dma_start3A_290 = arith.constant 5 : i32
      %dma_start3A_291 = arith.constant 0 : i32
      %dma_start3A_292 = arith.constant 0 : i32
      %dma_start3A_293 = tpu.memref_slice %arg9[%dma_start3A_290, %dma_start3A_291, %dma_start3A_292] : memref<8x128x16xf32, #tpu.memory_space<vmem>> -> memref<1x128x16xf32, #tpu.memory_space<vmem>>
      %dma_start3A_294 = tpu.memref_squeeze %dma_start3A_293 : memref<1x128x16xf32, #tpu.memory_space<vmem>> -> memref<128x16xf32, #tpu.memory_space<vmem>>
      %dma_start3A_295 = arith.constant 0 : i32
      %dma_start3A_296 = tpu.memref_slice %arg8[%add3A_289, %dma_start3A_295] : memref<80x128xi32, #tpu.memory_space<vmem>> -> memref<1x128xi32, #tpu.memory_space<vmem>>
      %dma_start3A_297 = tpu.memref_squeeze %dma_start3A_296 : memref<1x128xi32, #tpu.memory_space<vmem>> -> memref<128xi32, #tpu.memory_space<vmem>>
      %dma_start3A_298 = arith.constant 0 : i32
      %dma_start3A_299 = arith.constant 0 : i32
      %dma_start3A_300 = tpu.memref_slice %arg10[%dma_start3A_298, %dma_start3A_299] : memref<10240x16xf32, #tpu.memory_space<vmem_shared>> -> memref<10240x16xf32, #tpu.memory_space<vmem_shared>>
      tpu.enqueue_indirect_dma source(%dma_start3A_294 : memref<128x16xf32, #tpu.memory_space<vmem>>) target(%dma_start3A_300 : memref<10240x16xf32, #tpu.memory_space<vmem_shared>>) offsets(%dma_start3A_297 : memref<128xi32, #tpu.memory_space<vmem>>) semaphore(%arg12 : memref<!tpu.dma_semaphore, #tpu.memory_space<semaphore_mem>>) {add = true}
      %add3A_301 = arith.constant 6 : i32
      %add3A_302 = arith.addi %add3A_16, %add3A_301 : i32
      %dma_start3A_303 = arith.constant 6 : i32
      %dma_start3A_304 = arith.constant 0 : i32
      %dma_start3A_305 = arith.constant 0 : i32
      %dma_start3A_306 = tpu.memref_slice %arg9[%dma_start3A_303, %dma_start3A_304, %dma_start3A_305] : memref<8x128x16xf32, #tpu.memory_space<vmem>> -> memref<1x128x16xf32, #tpu.memory_space<vmem>>
      %dma_start3A_307 = tpu.memref_squeeze %dma_start3A_306 : memref<1x128x16xf32, #tpu.memory_space<vmem>> -> memref<128x16xf32, #tpu.memory_space<vmem>>
      %dma_start3A_308 = arith.constant 0 : i32
      %dma_start3A_309 = tpu.memref_slice %arg8[%add3A_302, %dma_start3A_308] : memref<80x128xi32, #tpu.memory_space<vmem>> -> memref<1x128xi32, #tpu.memory_space<vmem>>
      %dma_start3A_310 = tpu.memref_squeeze %dma_start3A_309 : memref<1x128xi32, #tpu.memory_space<vmem>> -> memref<128xi32, #tpu.memory_space<vmem>>
      %dma_start3A_311 = arith.constant 0 : i32
      %dma_start3A_312 = arith.constant 0 : i32
      %dma_start3A_313 = tpu.memref_slice %arg10[%dma_start3A_311, %dma_start3A_312] : memref<10240x16xf32, #tpu.memory_space<vmem_shared>> -> memref<10240x16xf32, #tpu.memory_space<vmem_shared>>
      tpu.enqueue_indirect_dma source(%dma_start3A_307 : memref<128x16xf32, #tpu.memory_space<vmem>>) target(%dma_start3A_313 : memref<10240x16xf32, #tpu.memory_space<vmem_shared>>) offsets(%dma_start3A_310 : memref<128xi32, #tpu.memory_space<vmem>>) semaphore(%arg12 : memref<!tpu.dma_semaphore, #tpu.memory_space<semaphore_mem>>) {add = true}
      %add3A_314 = arith.constant 7 : i32
      %add3A_315 = arith.addi %add3A_16, %add3A_314 : i32
      %dma_start3A_316 = arith.constant 7 : i32
      %dma_start3A_317 = arith.constant 0 : i32
      %dma_start3A_318 = arith.constant 0 : i32
      %dma_start3A_319 = tpu.memref_slice %arg9[%dma_start3A_316, %dma_start3A_317, %dma_start3A_318] : memref<8x128x16xf32, #tpu.memory_space<vmem>> -> memref<1x128x16xf32, #tpu.memory_space<vmem>>
      %dma_start3A_320 = tpu.memref_squeeze %dma_start3A_319 : memref<1x128x16xf32, #tpu.memory_space<vmem>> -> memref<128x16xf32, #tpu.memory_space<vmem>>
      %dma_start3A_321 = arith.constant 0 : i32
      %dma_start3A_322 = tpu.memref_slice %arg8[%add3A_315, %dma_start3A_321] : memref<80x128xi32, #tpu.memory_space<vmem>> -> memref<1x128xi32, #tpu.memory_space<vmem>>
      %dma_start3A_323 = tpu.memref_squeeze %dma_start3A_322 : memref<1x128xi32, #tpu.memory_space<vmem>> -> memref<128xi32, #tpu.memory_space<vmem>>
      %dma_start3A_324 = arith.constant 0 : i32
      %dma_start3A_325 = arith.constant 0 : i32
      %dma_start3A_326 = tpu.memref_slice %arg10[%dma_start3A_324, %dma_start3A_325] : memref<10240x16xf32, #tpu.memory_space<vmem_shared>> -> memref<10240x16xf32, #tpu.memory_space<vmem_shared>>
      tpu.enqueue_indirect_dma source(%dma_start3A_320 : memref<128x16xf32, #tpu.memory_space<vmem>>) target(%dma_start3A_326 : memref<10240x16xf32, #tpu.memory_space<vmem_shared>>) offsets(%dma_start3A_323 : memref<128xi32, #tpu.memory_space<vmem>>) semaphore(%arg12 : memref<!tpu.dma_semaphore, #tpu.memory_space<semaphore_mem>>) {add = true}
      %add3A_327 = arith.constant 0 : i32
      %add3A_328 = arith.addi %add3A_16, %add3A_327 : i32
      %dma_wait3A_329 = arith.constant 0 : i32
      %dma_wait3A_330 = arith.constant 0 : i32
      %dma_wait3A_331 = arith.constant 0 : i32
      %dma_wait3A_332 = tpu.memref_slice %arg9[%dma_wait3A_329, %dma_wait3A_330, %dma_wait3A_331] : memref<8x128x16xf32, #tpu.memory_space<vmem>> -> memref<1x128x16xf32, #tpu.memory_space<vmem>>
      %dma_wait3A_333 = tpu.memref_squeeze %dma_wait3A_332 : memref<1x128x16xf32, #tpu.memory_space<vmem>> -> memref<128x16xf32, #tpu.memory_space<vmem>>
      %dma_wait3A_334 = arith.constant 0 : i32
      %dma_wait3A_335 = tpu.memref_slice %arg8[%add3A_328, %dma_wait3A_334] : memref<80x128xi32, #tpu.memory_space<vmem>> -> memref<1x128xi32, #tpu.memory_space<vmem>>
      %dma_wait3A_336 = tpu.memref_squeeze %dma_wait3A_335 : memref<1x128xi32, #tpu.memory_space<vmem>> -> memref<128xi32, #tpu.memory_space<vmem>>
      %dma_wait3A_337 = arith.constant 0 : i32
      %dma_wait3A_338 = arith.constant 0 : i32
      %dma_wait3A_339 = tpu.memref_slice %arg10[%dma_wait3A_337, %dma_wait3A_338] : memref<10240x16xf32, #tpu.memory_space<vmem_shared>> -> memref<10240x16xf32, #tpu.memory_space<vmem_shared>>
      tpu.wait_indirect_dma semaphore(%arg12 : memref<!tpu.dma_semaphore, #tpu.memory_space<semaphore_mem>>) src(%dma_wait3A_333 : memref<128x16xf32, #tpu.memory_space<vmem>>) dst(%dma_wait3A_339 : memref<10240x16xf32, #tpu.memory_space<vmem_shared>>)
      %add3A_340 = arith.constant 1 : i32
      %add3A_341 = arith.addi %add3A_16, %add3A_340 : i32
      %dma_wait3A_342 = arith.constant 1 : i32
      %dma_wait3A_343 = arith.constant 0 : i32
      %dma_wait3A_344 = arith.constant 0 : i32
      %dma_wait3A_345 = tpu.memref_slice %arg9[%dma_wait3A_342, %dma_wait3A_343, %dma_wait3A_344] : memref<8x128x16xf32, #tpu.memory_space<vmem>> -> memref<1x128x16xf32, #tpu.memory_space<vmem>>
      %dma_wait3A_346 = tpu.memref_squeeze %dma_wait3A_345 : memref<1x128x16xf32, #tpu.memory_space<vmem>> -> memref<128x16xf32, #tpu.memory_space<vmem>>
      %dma_wait3A_347 = arith.constant 0 : i32
      %dma_wait3A_348 = tpu.memref_slice %arg8[%add3A_341, %dma_wait3A_347] : memref<80x128xi32, #tpu.memory_space<vmem>> -> memref<1x128xi32, #tpu.memory_space<vmem>>
      %dma_wait3A_349 = tpu.memref_squeeze %dma_wait3A_348 : memref<1x128xi32, #tpu.memory_space<vmem>> -> memref<128xi32, #tpu.memory_space<vmem>>
      %dma_wait3A_350 = arith.constant 0 : i32
      %dma_wait3A_351 = arith.constant 0 : i32
      %dma_wait3A_352 = tpu.memref_slice %arg10[%dma_wait3A_350, %dma_wait3A_351] : memref<10240x16xf32, #tpu.memory_space<vmem_shared>> -> memref<10240x16xf32, #tpu.memory_space<vmem_shared>>
      tpu.wait_indirect_dma semaphore(%arg12 : memref<!tpu.dma_semaphore, #tpu.memory_space<semaphore_mem>>) src(%dma_wait3A_346 : memref<128x16xf32, #tpu.memory_space<vmem>>) dst(%dma_wait3A_352 : memref<10240x16xf32, #tpu.memory_space<vmem_shared>>)
      %add3A_353 = arith.constant 2 : i32
      %add3A_354 = arith.addi %add3A_16, %add3A_353 : i32
      %dma_wait3A_355 = arith.constant 2 : i32
      %dma_wait3A_356 = arith.constant 0 : i32
      %dma_wait3A_357 = arith.constant 0 : i32
      %dma_wait3A_358 = tpu.memref_slice %arg9[%dma_wait3A_355, %dma_wait3A_356, %dma_wait3A_357] : memref<8x128x16xf32, #tpu.memory_space<vmem>> -> memref<1x128x16xf32, #tpu.memory_space<vmem>>
      %dma_wait3A_359 = tpu.memref_squeeze %dma_wait3A_358 : memref<1x128x16xf32, #tpu.memory_space<vmem>> -> memref<128x16xf32, #tpu.memory_space<vmem>>
      %dma_wait3A_360 = arith.constant 0 : i32
      %dma_wait3A_361 = tpu.memref_slice %arg8[%add3A_354, %dma_wait3A_360] : memref<80x128xi32, #tpu.memory_space<vmem>> -> memref<1x128xi32, #tpu.memory_space<vmem>>
      %dma_wait3A_362 = tpu.memref_squeeze %dma_wait3A_361 : memref<1x128xi32, #tpu.memory_space<vmem>> -> memref<128xi32, #tpu.memory_space<vmem>>
      %dma_wait3A_363 = arith.constant 0 : i32
      %dma_wait3A_364 = arith.constant 0 : i32
      %dma_wait3A_365 = tpu.memref_slice %arg10[%dma_wait3A_363, %dma_wait3A_364] : memref<10240x16xf32, #tpu.memory_space<vmem_shared>> -> memref<10240x16xf32, #tpu.memory_space<vmem_shared>>
      tpu.wait_indirect_dma semaphore(%arg12 : memref<!tpu.dma_semaphore, #tpu.memory_space<semaphore_mem>>) src(%dma_wait3A_359 : memref<128x16xf32, #tpu.memory_space<vmem>>) dst(%dma_wait3A_365 : memref<10240x16xf32, #tpu.memory_space<vmem_shared>>)
      %add3A_366 = arith.constant 3 : i32
      %add3A_367 = arith.addi %add3A_16, %add3A_366 : i32
      %dma_wait3A_368 = arith.constant 3 : i32
      %dma_wait3A_369 = arith.constant 0 : i32
      %dma_wait3A_370 = arith.constant 0 : i32
      %dma_wait3A_371 = tpu.memref_slice %arg9[%dma_wait3A_368, %dma_wait3A_369, %dma_wait3A_370] : memref<8x128x16xf32, #tpu.memory_space<vmem>> -> memref<1x128x16xf32, #tpu.memory_space<vmem>>
      %dma_wait3A_372 = tpu.memref_squeeze %dma_wait3A_371 : memref<1x128x16xf32, #tpu.memory_space<vmem>> -> memref<128x16xf32, #tpu.memory_space<vmem>>
      %dma_wait3A_373 = arith.constant 0 : i32
      %dma_wait3A_374 = tpu.memref_slice %arg8[%add3A_367, %dma_wait3A_373] : memref<80x128xi32, #tpu.memory_space<vmem>> -> memref<1x128xi32, #tpu.memory_space<vmem>>
      %dma_wait3A_375 = tpu.memref_squeeze %dma_wait3A_374 : memref<1x128xi32, #tpu.memory_space<vmem>> -> memref<128xi32, #tpu.memory_space<vmem>>
      %dma_wait3A_376 = arith.constant 0 : i32
      %dma_wait3A_377 = arith.constant 0 : i32
      %dma_wait3A_378 = tpu.memref_slice %arg10[%dma_wait3A_376, %dma_wait3A_377] : memref<10240x16xf32, #tpu.memory_space<vmem_shared>> -> memref<10240x16xf32, #tpu.memory_space<vmem_shared>>
      tpu.wait_indirect_dma semaphore(%arg12 : memref<!tpu.dma_semaphore, #tpu.memory_space<semaphore_mem>>) src(%dma_wait3A_372 : memref<128x16xf32, #tpu.memory_space<vmem>>) dst(%dma_wait3A_378 : memref<10240x16xf32, #tpu.memory_space<vmem_shared>>)
      %add3A_379 = arith.constant 4 : i32
      %add3A_380 = arith.addi %add3A_16, %add3A_379 : i32
      %dma_wait3A_381 = arith.constant 4 : i32
      %dma_wait3A_382 = arith.constant 0 : i32
      %dma_wait3A_383 = arith.constant 0 : i32
      %dma_wait3A_384 = tpu.memref_slice %arg9[%dma_wait3A_381, %dma_wait3A_382, %dma_wait3A_383] : memref<8x128x16xf32, #tpu.memory_space<vmem>> -> memref<1x128x16xf32, #tpu.memory_space<vmem>>
      %dma_wait3A_385 = tpu.memref_squeeze %dma_wait3A_384 : memref<1x128x16xf32, #tpu.memory_space<vmem>> -> memref<128x16xf32, #tpu.memory_space<vmem>>
      %dma_wait3A_386 = arith.constant 0 : i32
      %dma_wait3A_387 = tpu.memref_slice %arg8[%add3A_380, %dma_wait3A_386] : memref<80x128xi32, #tpu.memory_space<vmem>> -> memref<1x128xi32, #tpu.memory_space<vmem>>
      %dma_wait3A_388 = tpu.memref_squeeze %dma_wait3A_387 : memref<1x128xi32, #tpu.memory_space<vmem>> -> memref<128xi32, #tpu.memory_space<vmem>>
      %dma_wait3A_389 = arith.constant 0 : i32
      %dma_wait3A_390 = arith.constant 0 : i32
      %dma_wait3A_391 = tpu.memref_slice %arg10[%dma_wait3A_389, %dma_wait3A_390] : memref<10240x16xf32, #tpu.memory_space<vmem_shared>> -> memref<10240x16xf32, #tpu.memory_space<vmem_shared>>
      tpu.wait_indirect_dma semaphore(%arg12 : memref<!tpu.dma_semaphore, #tpu.memory_space<semaphore_mem>>) src(%dma_wait3A_385 : memref<128x16xf32, #tpu.memory_space<vmem>>) dst(%dma_wait3A_391 : memref<10240x16xf32, #tpu.memory_space<vmem_shared>>)
      %add3A_392 = arith.constant 5 : i32
      %add3A_393 = arith.addi %add3A_16, %add3A_392 : i32
      %dma_wait3A_394 = arith.constant 5 : i32
      %dma_wait3A_395 = arith.constant 0 : i32
      %dma_wait3A_396 = arith.constant 0 : i32
      %dma_wait3A_397 = tpu.memref_slice %arg9[%dma_wait3A_394, %dma_wait3A_395, %dma_wait3A_396] : memref<8x128x16xf32, #tpu.memory_space<vmem>> -> memref<1x128x16xf32, #tpu.memory_space<vmem>>
      %dma_wait3A_398 = tpu.memref_squeeze %dma_wait3A_397 : memref<1x128x16xf32, #tpu.memory_space<vmem>> -> memref<128x16xf32, #tpu.memory_space<vmem>>
      %dma_wait3A_399 = arith.constant 0 : i32
      %dma_wait3A_400 = tpu.memref_slice %arg8[%add3A_393, %dma_wait3A_399] : memref<80x128xi32, #tpu.memory_space<vmem>> -> memref<1x128xi32, #tpu.memory_space<vmem>>
      %dma_wait3A_401 = tpu.memref_squeeze %dma_wait3A_400 : memref<1x128xi32, #tpu.memory_space<vmem>> -> memref<128xi32, #tpu.memory_space<vmem>>
      %dma_wait3A_402 = arith.constant 0 : i32
      %dma_wait3A_403 = arith.constant 0 : i32
      %dma_wait3A_404 = tpu.memref_slice %arg10[%dma_wait3A_402, %dma_wait3A_403] : memref<10240x16xf32, #tpu.memory_space<vmem_shared>> -> memref<10240x16xf32, #tpu.memory_space<vmem_shared>>
      tpu.wait_indirect_dma semaphore(%arg12 : memref<!tpu.dma_semaphore, #tpu.memory_space<semaphore_mem>>) src(%dma_wait3A_398 : memref<128x16xf32, #tpu.memory_space<vmem>>) dst(%dma_wait3A_404 : memref<10240x16xf32, #tpu.memory_space<vmem_shared>>)
      %add3A_405 = arith.constant 6 : i32
      %add3A_406 = arith.addi %add3A_16, %add3A_405 : i32
      %dma_wait3A_407 = arith.constant 6 : i32
      %dma_wait3A_408 = arith.constant 0 : i32
      %dma_wait3A_409 = arith.constant 0 : i32
      %dma_wait3A_410 = tpu.memref_slice %arg9[%dma_wait3A_407, %dma_wait3A_408, %dma_wait3A_409] : memref<8x128x16xf32, #tpu.memory_space<vmem>> -> memref<1x128x16xf32, #tpu.memory_space<vmem>>
      %dma_wait3A_411 = tpu.memref_squeeze %dma_wait3A_410 : memref<1x128x16xf32, #tpu.memory_space<vmem>> -> memref<128x16xf32, #tpu.memory_space<vmem>>
      %dma_wait3A_412 = arith.constant 0 : i32
      %dma_wait3A_413 = tpu.memref_slice %arg8[%add3A_406, %dma_wait3A_412] : memref<80x128xi32, #tpu.memory_space<vmem>> -> memref<1x128xi32, #tpu.memory_space<vmem>>
      %dma_wait3A_414 = tpu.memref_squeeze %dma_wait3A_413 : memref<1x128xi32, #tpu.memory_space<vmem>> -> memref<128xi32, #tpu.memory_space<vmem>>
      %dma_wait3A_415 = arith.constant 0 : i32
      %dma_wait3A_416 = arith.constant 0 : i32
      %dma_wait3A_417 = tpu.memref_slice %arg10[%dma_wait3A_415, %dma_wait3A_416] : memref<10240x16xf32, #tpu.memory_space<vmem_shared>> -> memref<10240x16xf32, #tpu.memory_space<vmem_shared>>
      tpu.wait_indirect_dma semaphore(%arg12 : memref<!tpu.dma_semaphore, #tpu.memory_space<semaphore_mem>>) src(%dma_wait3A_411 : memref<128x16xf32, #tpu.memory_space<vmem>>) dst(%dma_wait3A_417 : memref<10240x16xf32, #tpu.memory_space<vmem_shared>>)
      %add3A_418 = arith.constant 7 : i32
      %add3A_419 = arith.addi %add3A_16, %add3A_418 : i32
      %dma_wait3A_420 = arith.constant 7 : i32
      %dma_wait3A_421 = arith.constant 0 : i32
      %dma_wait3A_422 = arith.constant 0 : i32
      %dma_wait3A_423 = tpu.memref_slice %arg9[%dma_wait3A_420, %dma_wait3A_421, %dma_wait3A_422] : memref<8x128x16xf32, #tpu.memory_space<vmem>> -> memref<1x128x16xf32, #tpu.memory_space<vmem>>
      %dma_wait3A_424 = tpu.memref_squeeze %dma_wait3A_423 : memref<1x128x16xf32, #tpu.memory_space<vmem>> -> memref<128x16xf32, #tpu.memory_space<vmem>>
      %dma_wait3A_425 = arith.constant 0 : i32
      %dma_wait3A_426 = tpu.memref_slice %arg8[%add3A_419, %dma_wait3A_425] : memref<80x128xi32, #tpu.memory_space<vmem>> -> memref<1x128xi32, #tpu.memory_space<vmem>>
      %dma_wait3A_427 = tpu.memref_squeeze %dma_wait3A_426 : memref<1x128xi32, #tpu.memory_space<vmem>> -> memref<128xi32, #tpu.memory_space<vmem>>
      %dma_wait3A_428 = arith.constant 0 : i32
      %dma_wait3A_429 = arith.constant 0 : i32
      %dma_wait3A_430 = tpu.memref_slice %arg10[%dma_wait3A_428, %dma_wait3A_429] : memref<10240x16xf32, #tpu.memory_space<vmem_shared>> -> memref<10240x16xf32, #tpu.memory_space<vmem_shared>>
      tpu.wait_indirect_dma semaphore(%arg12 : memref<!tpu.dma_semaphore, #tpu.memory_space<semaphore_mem>>) src(%dma_wait3A_424 : memref<128x16xf32, #tpu.memory_space<vmem>>) dst(%dma_wait3A_430 : memref<10240x16xf32, #tpu.memory_space<vmem_shared>>)
    }
    %scan3A_6 = arith.constant 10 : i32
    %barrier3A_7 = arith.constant 0 : index
    tpu.barrier barrier_id(%barrier3A_7)
    %mul3A_8 = arith.constant 640 : i32
    %mul3A_9 = arith.muli %arg1, %mul3A_8 : i32
    %mul3A_10 = arith.constant 640 : i32
    %mul3A_11 = arith.muli %arg1, %mul3A_10 : i32
    "tpu.region"() ({
      %run_scoped3A = tpu.sem_alloc : memref<!tpu.dma_semaphore, #tpu.memory_space<semaphore_mem>>
      %dma_start3A = arith.constant 0 : i32
      %dma_start3A_12 = tpu.memref_slice %arg6[%arg0, %mul3A_11, %dma_start3A] : memref<2x10240x16xf32, #tpu.memory_space<hbm>> -> memref<1x640x16xf32, #tpu.memory_space<hbm>>
      %dma_start3A_13 = tpu.memref_squeeze %dma_start3A_12 : memref<1x640x16xf32, #tpu.memory_space<hbm>> -> memref<640x16xf32, #tpu.memory_space<hbm>>
      %dma_start3A_14 = arith.constant 0 : i32
      %dma_start3A_15 = tpu.memref_slice %arg10[%mul3A_9, %dma_start3A_14] : memref<10240x16xf32, #tpu.memory_space<vmem_shared>> -> memref<640x16xf32, #tpu.memory_space<vmem_shared>>
      tpu.enqueue_dma source(%dma_start3A_15 : memref<640x16xf32, #tpu.memory_space<vmem_shared>>) target(%dma_start3A_13 : memref<640x16xf32, #tpu.memory_space<hbm>>) target_semaphore(%run_scoped3A : memref<!tpu.dma_semaphore, #tpu.memory_space<semaphore_mem>>)
      %dma_wait3A = arith.constant 0 : i32
      %dma_wait3A_16 = tpu.memref_slice %arg6[%arg0, %mul3A_11, %dma_wait3A] : memref<2x10240x16xf32, #tpu.memory_space<hbm>> -> memref<1x640x16xf32, #tpu.memory_space<hbm>>
      %dma_wait3A_17 = tpu.memref_squeeze %dma_wait3A_16 : memref<1x640x16xf32, #tpu.memory_space<hbm>> -> memref<640x16xf32, #tpu.memory_space<hbm>>
      %dma_wait3A_18 = arith.constant 0 : i32
      %dma_wait3A_19 = tpu.memref_slice %arg10[%mul3A_9, %dma_wait3A_18] : memref<10240x16xf32, #tpu.memory_space<vmem_shared>> -> memref<640x16xf32, #tpu.memory_space<vmem_shared>>
      tpu.wait_dma2 semaphore(%run_scoped3A : memref<!tpu.dma_semaphore, #tpu.memory_space<semaphore_mem>>) src(%dma_wait3A_19 : memref<640x16xf32, #tpu.memory_space<vmem_shared>>) dst(%dma_wait3A_17 : memref<640x16xf32, #tpu.memory_space<hbm>>)
      tpu.yield
    }) : () -> ()
    return
  }
}

#map = affine_map<(d0, d1) -> (0, 0, 0)>
#map1 = affine_map<(d0, d1) -> (0)>
#map2 = affine_map<(d0, d1) -> (0, 0)>
module attributes {stable_mosaic.version = 14 : i64} {
  func.func @deg_kernel(%arg0: i32, %arg1: i32, %arg2: memref<32x80x128xi32, #tpu.memory_space<hbm>>, %arg3: memref<640xf32, #tpu.memory_space<hbm>>, %arg4: memref<128xf32, #tpu.memory_space<hbm>>, %arg5: memref<2x10240xf32, #tpu.memory_space<hbm>>, %arg6: memref<80x128xi32, #tpu.memory_space<vmem>>, %arg7: memref<128xf32, #tpu.memory_space<vmem>>, %arg8: memref<10240xf32, #tpu.memory_space<vmem_shared>>, %arg9: memref<!tpu.dma_semaphore, #tpu.memory_space<semaphore_mem>>) attributes {dimension_semantics = [#tpu.dimension_semantics<core_parallel>, #tpu.dimension_semantics<subcore_parallel>], iteration_bounds = array<i64: 2, 16>, scalar_prefetch = 0 : i64, scratch_operands = 4 : i64, tpu.core_type = #tpu.core_type<sc_vector_subcore>, window_params = [{transform_indices = #map}, {transform_indices = #map1}, {transform_indices = #map1}, {transform_indices = #map2}]} {
    %mul3A = arith.constant 16 : i32
    %mul3A_0 = arith.muli %arg0, %mul3A : i32
    %add3A = arith.addi %mul3A_0, %arg1 : i32
    "tpu.region"() ({
      %run_scoped3A = tpu.sem_alloc : memref<!tpu.dma_semaphore, #tpu.memory_space<semaphore_mem>>
      %dma_start3A = arith.constant 0 : i32
      %dma_start3A_17 = arith.constant 0 : i32
      %dma_start3A_18 = tpu.memref_slice %arg2[%add3A, %dma_start3A, %dma_start3A_17] : memref<32x80x128xi32, #tpu.memory_space<hbm>> -> memref<1x80x128xi32, #tpu.memory_space<hbm>>
      %dma_start3A_19 = tpu.memref_squeeze %dma_start3A_18 : memref<1x80x128xi32, #tpu.memory_space<hbm>> -> memref<80x128xi32, #tpu.memory_space<hbm>>
      %dma_start3A_20 = arith.constant 0 : i32
      %dma_start3A_21 = arith.constant 0 : i32
      %dma_start3A_22 = tpu.memref_slice %arg2[%add3A, %dma_start3A_20, %dma_start3A_21] : memref<32x80x128xi32, #tpu.memory_space<hbm>> -> memref<1x80x128xi32, #tpu.memory_space<hbm>>
      %dma_start3A_23 = tpu.memref_squeeze %dma_start3A_22 : memref<1x80x128xi32, #tpu.memory_space<hbm>> -> memref<80x128xi32, #tpu.memory_space<hbm>>
      tpu.enqueue_dma source(%dma_start3A_23 : memref<80x128xi32, #tpu.memory_space<hbm>>) target(%arg6 : memref<80x128xi32, #tpu.memory_space<vmem>>) target_semaphore(%run_scoped3A : memref<!tpu.dma_semaphore, #tpu.memory_space<semaphore_mem>>)
      %dma_wait3A = arith.constant 0 : i32
      %dma_wait3A_24 = arith.constant 0 : i32
      %dma_wait3A_25 = tpu.memref_slice %arg2[%add3A, %dma_wait3A, %dma_wait3A_24] : memref<32x80x128xi32, #tpu.memory_space<hbm>> -> memref<1x80x128xi32, #tpu.memory_space<hbm>>
      %dma_wait3A_26 = tpu.memref_squeeze %dma_wait3A_25 : memref<1x80x128xi32, #tpu.memory_space<hbm>> -> memref<80x128xi32, #tpu.memory_space<hbm>>
      %dma_wait3A_27 = arith.constant 0 : i32
      %dma_wait3A_28 = arith.constant 0 : i32
      %dma_wait3A_29 = tpu.memref_slice %arg2[%add3A, %dma_wait3A_27, %dma_wait3A_28] : memref<32x80x128xi32, #tpu.memory_space<hbm>> -> memref<1x80x128xi32, #tpu.memory_space<hbm>>
      %dma_wait3A_30 = tpu.memref_squeeze %dma_wait3A_29 : memref<1x80x128xi32, #tpu.memory_space<hbm>> -> memref<80x128xi32, #tpu.memory_space<hbm>>
      tpu.wait_dma2 semaphore(%run_scoped3A : memref<!tpu.dma_semaphore, #tpu.memory_space<semaphore_mem>>) src(%dma_wait3A_30 : memref<80x128xi32, #tpu.memory_space<hbm>>) dst(%arg6 : memref<80x128xi32, #tpu.memory_space<vmem>>)
      tpu.yield
    }) : () -> ()
    "tpu.region"() ({
      %run_scoped3A = tpu.sem_alloc : memref<!tpu.dma_semaphore, #tpu.memory_space<semaphore_mem>>
      tpu.enqueue_dma source(%arg4 : memref<128xf32, #tpu.memory_space<hbm>>) target(%arg7 : memref<128xf32, #tpu.memory_space<vmem>>) target_semaphore(%run_scoped3A : memref<!tpu.dma_semaphore, #tpu.memory_space<semaphore_mem>>)
      tpu.wait_dma2 semaphore(%run_scoped3A : memref<!tpu.dma_semaphore, #tpu.memory_space<semaphore_mem>>) src(%arg4 : memref<128xf32, #tpu.memory_space<hbm>>) dst(%arg7 : memref<128xf32, #tpu.memory_space<vmem>>)
      tpu.yield
    }) : () -> ()
    %mul3A_1 = arith.constant 640 : i32
    %mul3A_2 = arith.muli %arg1, %mul3A_1 : i32
    "tpu.region"() ({
      %run_scoped3A = tpu.sem_alloc : memref<!tpu.dma_semaphore, #tpu.memory_space<semaphore_mem>>
      %dma_start3A = tpu.memref_slice %arg8[%mul3A_2] : memref<10240xf32, #tpu.memory_space<vmem_shared>> -> memref<640xf32, #tpu.memory_space<vmem_shared>>
      tpu.enqueue_dma source(%arg3 : memref<640xf32, #tpu.memory_space<hbm>>) target(%dma_start3A : memref<640xf32, #tpu.memory_space<vmem_shared>>) target_semaphore(%run_scoped3A : memref<!tpu.dma_semaphore, #tpu.memory_space<semaphore_mem>>)
      %dma_wait3A = tpu.memref_slice %arg8[%mul3A_2] : memref<10240xf32, #tpu.memory_space<vmem_shared>> -> memref<640xf32, #tpu.memory_space<vmem_shared>>
      tpu.wait_dma2 semaphore(%run_scoped3A : memref<!tpu.dma_semaphore, #tpu.memory_space<semaphore_mem>>) src(%arg3 : memref<640xf32, #tpu.memory_space<hbm>>) dst(%dma_wait3A : memref<640xf32, #tpu.memory_space<vmem_shared>>)
      tpu.yield
    }) : () -> ()
    %barrier3A = arith.constant 0 : index
    tpu.barrier barrier_id(%barrier3A)
    %scan3A = arith.constant 0 : i32
    %scan3A_3 = arith.constant 80 : i32
    %scan3A_4 = arith.addi %scan3A, %scan3A_3 : i32
    %scan3A_5 = arith.constant 1 : i32
    scf.for %scan3A_17 = %scan3A to %scan3A_4 step %scan3A_5  : i32 {
      %mul3A_18 = arith.constant 1 : i32
      %mul3A_19 = arith.muli %scan3A_17, %mul3A_18 : i32
      %add3A_20 = arith.constant 0 : i32
      %add3A_21 = arith.addi %add3A_20, %mul3A_19 : i32
      %dma_start3A = arith.constant 0 : i32
      %dma_start3A_22 = tpu.memref_slice %arg6[%add3A_21, %dma_start3A] : memref<80x128xi32, #tpu.memory_space<vmem>> -> memref<1x128xi32, #tpu.memory_space<vmem>>
      %dma_start3A_23 = tpu.memref_squeeze %dma_start3A_22 : memref<1x128xi32, #tpu.memory_space<vmem>> -> memref<128xi32, #tpu.memory_space<vmem>>
      %dma_start3A_24 = arith.constant 0 : i32
      %dma_start3A_25 = tpu.memref_slice %arg8[%dma_start3A_24] : memref<10240xf32, #tpu.memory_space<vmem_shared>> -> memref<10240xf32, #tpu.memory_space<vmem_shared>>
      tpu.enqueue_indirect_dma source(%arg7 : memref<128xf32, #tpu.memory_space<vmem>>) target(%dma_start3A_25 : memref<10240xf32, #tpu.memory_space<vmem_shared>>) offsets(%dma_start3A_23 : memref<128xi32, #tpu.memory_space<vmem>>) semaphore(%arg9 : memref<!tpu.dma_semaphore, #tpu.memory_space<semaphore_mem>>) {add = true}
    }
    %scan3A_6 = arith.constant 80 : i32
    %scan3A_7 = arith.constant 0 : i32
    %scan3A_8 = arith.constant 80 : i32
    %scan3A_9 = arith.addi %scan3A_7, %scan3A_8 : i32
    %scan3A_10 = arith.constant 1 : i32
    scf.for %scan3A_17 = %scan3A_7 to %scan3A_9 step %scan3A_10  : i32 {
      %mul3A_18 = arith.constant 1 : i32
      %mul3A_19 = arith.muli %scan3A_17, %mul3A_18 : i32
      %add3A_20 = arith.constant 0 : i32
      %add3A_21 = arith.addi %add3A_20, %mul3A_19 : i32
      %dma_wait3A = arith.constant 0 : i32
      %dma_wait3A_22 = tpu.memref_slice %arg6[%add3A_21, %dma_wait3A] : memref<80x128xi32, #tpu.memory_space<vmem>> -> memref<1x128xi32, #tpu.memory_space<vmem>>
      %dma_wait3A_23 = tpu.memref_squeeze %dma_wait3A_22 : memref<1x128xi32, #tpu.memory_space<vmem>> -> memref<128xi32, #tpu.memory_space<vmem>>
      %dma_wait3A_24 = arith.constant 0 : i32
      %dma_wait3A_25 = tpu.memref_slice %arg8[%dma_wait3A_24] : memref<10240xf32, #tpu.memory_space<vmem_shared>> -> memref<10240xf32, #tpu.memory_space<vmem_shared>>
      tpu.wait_indirect_dma semaphore(%arg9 : memref<!tpu.dma_semaphore, #tpu.memory_space<semaphore_mem>>) src(%arg7 : memref<128xf32, #tpu.memory_space<vmem>>) dst(%dma_wait3A_25 : memref<10240xf32, #tpu.memory_space<vmem_shared>>)
    }
    %scan3A_11 = arith.constant 80 : i32
    %barrier3A_12 = arith.constant 0 : index
    tpu.barrier barrier_id(%barrier3A_12)
    %mul3A_13 = arith.constant 640 : i32
    %mul3A_14 = arith.muli %arg1, %mul3A_13 : i32
    %mul3A_15 = arith.constant 640 : i32
    %mul3A_16 = arith.muli %arg1, %mul3A_15 : i32
    "tpu.region"() ({
      %run_scoped3A = tpu.sem_alloc : memref<!tpu.dma_semaphore, #tpu.memory_space<semaphore_mem>>
      %dma_start3A = tpu.memref_slice %arg5[%arg0, %mul3A_16] : memref<2x10240xf32, #tpu.memory_space<hbm>> -> memref<1x640xf32, #tpu.memory_space<hbm>>
      %dma_start3A_17 = tpu.memref_squeeze %dma_start3A : memref<1x640xf32, #tpu.memory_space<hbm>> -> memref<640xf32, #tpu.memory_space<hbm>>
      %dma_start3A_18 = tpu.memref_slice %arg8[%mul3A_14] : memref<10240xf32, #tpu.memory_space<vmem_shared>> -> memref<640xf32, #tpu.memory_space<vmem_shared>>
      tpu.enqueue_dma source(%dma_start3A_18 : memref<640xf32, #tpu.memory_space<vmem_shared>>) target(%dma_start3A_17 : memref<640xf32, #tpu.memory_space<hbm>>) target_semaphore(%run_scoped3A : memref<!tpu.dma_semaphore, #tpu.memory_space<semaphore_mem>>)
      %dma_wait3A = tpu.memref_slice %arg5[%arg0, %mul3A_16] : memref<2x10240xf32, #tpu.memory_space<hbm>> -> memref<1x640xf32, #tpu.memory_space<hbm>>
      %dma_wait3A_19 = tpu.memref_squeeze %dma_wait3A : memref<1x640xf32, #tpu.memory_space<hbm>> -> memref<640xf32, #tpu.memory_space<hbm>>
      %dma_wait3A_20 = tpu.memref_slice %arg8[%mul3A_14] : memref<10240xf32, #tpu.memory_space<vmem_shared>> -> memref<640xf32, #tpu.memory_space<vmem_shared>>
      tpu.wait_dma2 semaphore(%run_scoped3A : memref<!tpu.dma_semaphore, #tpu.memory_space<semaphore_mem>>) src(%dma_wait3A_20 : memref<640xf32, #tpu.memory_space<vmem_shared>>) dst(%dma_wait3A_19 : memref<640xf32, #tpu.memory_space<hbm>>)
      tpu.yield
    }) : () -> ()
    return
  }
}

module attributes {stable_mosaic.version = 14 : i64} {
  func.func @_mid_body(%arg0: memref<10000x128xf32, #tpu.memory_space<vmem>>, %arg1: memref<128x16xf32, #tpu.memory_space<vmem>>, %arg2: memref<2x10240xf32, #tpu.memory_space<vmem>>, %arg3: memref<10000x16xf32, #tpu.memory_space<vmem>>, %arg4: memref<10000x16xf32, #tpu.memory_space<vmem>>) attributes {dimension_semantics = [], scalar_prefetch = 0 : i64, scratch_operands = 0 : i64, tpu.core_type = #tpu.core_type<tc>} {
    %get3A = arith.constant 0 : index
    %get3A_0 = arith.constant 0 : index
    %get3A_1 = vector.load %arg0[%get3A, %get3A_0] : memref<10000x128xf32, #tpu.memory_space<vmem>>, vector<10000x128xf32>
    %get3A_2 = arith.constant 0 : index
    %get3A_3 = arith.constant 0 : index
    %get3A_4 = vector.load %arg1[%get3A_2, %get3A_3] : memref<128x16xf32, #tpu.memory_space<vmem>>, vector<128x16xf32>
    %dot_general3A = arith.constant dense<0.000000e+00> : vector<10000x16xf32>
    %dot_general3A_5 = tpu.matmul %get3A_1, %get3A_4, %dot_general3A {dimension_numbers = #tpu.dot_dimension_numbers<[1], [0], [0], [1], [0, 0, 1, 1], [], []>, transpose_lhs_hint = false} : vector<10000x128xf32>, vector<128x16xf32>, vector<10000x16xf32> -> vector<10000x16xf32>
    %get3A_6 = arith.constant 0 : index
    %get3A_7 = arith.constant 0 : index
    %get3A_8 = vector.load %arg2[%get3A_6, %get3A_7] : memref<2x10240xf32, #tpu.memory_space<vmem>>, vector<1x10240xf32>
    %get3A_9 = vector.shape_cast %get3A_8 : vector<1x10240xf32> to vector<10240xf32>
    %get3A_10 = arith.constant 1 : index
    %get3A_11 = arith.constant 0 : index
    %get3A_12 = vector.load %arg2[%get3A_10, %get3A_11] : memref<2x10240xf32, #tpu.memory_space<vmem>>, vector<1x10240xf32>
    %get3A_13 = vector.shape_cast %get3A_12 : vector<1x10240xf32> to vector<10240xf32>
    %add3A = arith.addf %get3A_9, %get3A_13 : vector<10240xf32>
    %add3A_14 = arith.constant 1.000000e+00 : f32
    %add3A_15 = vector.broadcast %add3A_14 : f32 to vector<10240xf32>
    %add3A_16 = arith.addf %add3A, %add3A_15 : vector<10240xf32>
    %rsqrt3A = math.rsqrt %add3A_16 : vector<10240xf32>
    %slice3A = vector.extract_strided_slice %rsqrt3A {offsets = [0], sizes = [10000], strides = [1]} : vector<10240xf32> to vector<10000xf32>
    %broadcast_in_dim3A = vector.shape_cast %slice3A : vector<10000xf32> to vector<10000x1xf32>
    %mul3A = vector.broadcast %broadcast_in_dim3A : vector<10000x1xf32> to vector<10000x16xf32>
    %mul3A_17 = arith.mulf %dot_general3A_5, %mul3A : vector<10000x16xf32>
    %swap3A = arith.constant 0 : index
    %swap3A_18 = arith.constant 0 : index
    %swap3A_19 = vector.load %arg3[%swap3A, %swap3A_18] : memref<10000x16xf32, #tpu.memory_space<vmem>>, vector<10000x16xf32>
    tpu.vector_store %arg3[%swap3A, %swap3A_18], %mul3A_17 {strides = array<i32>} : memref<10000x16xf32, #tpu.memory_space<vmem>>, vector<10000x16xf32>,
    %broadcast_in_dim3A_20 = vector.shape_cast %broadcast_in_dim3A : vector<10000x1xf32> to vector<10000x1xf32>
    %broadcast_in_dim3A_21 = vector.broadcast %broadcast_in_dim3A_20 : vector<10000x1xf32> to vector<10000x16xf32>
    %swap3A_22 = arith.constant 0 : index
    %swap3A_23 = arith.constant 0 : index
    %swap3A_24 = vector.load %arg4[%swap3A_22, %swap3A_23] : memref<10000x16xf32, #tpu.memory_space<vmem>>, vector<10000x16xf32>
    tpu.vector_store %arg4[%swap3A_22, %swap3A_23], %broadcast_in_dim3A_21 {strides = array<i32>} : memref<10000x16xf32, #tpu.memory_space<vmem>>, vector<10000x16xf32>,
    return
  }
}

module attributes {stable_mosaic.version = 14 : i64} {
  func.func @_final_body(%arg0: memref<2x10240x16xf32, #tpu.memory_space<vmem>>, %arg1: memref<10000x16xf32, #tpu.memory_space<vmem>>, %arg2: memref<10000x16xf32, #tpu.memory_space<vmem>>, %arg3: memref<1x16xf32, #tpu.memory_space<vmem>>, %arg4: memref<10000x16xf32, #tpu.memory_space<vmem>>) attributes {dimension_semantics = [], scalar_prefetch = 0 : i64, scratch_operands = 0 : i64, tpu.core_type = #tpu.core_type<tc>} {
    %get3A = arith.constant 0 : index
    %get3A_0 = arith.constant 0 : index
    %get3A_1 = arith.constant 0 : index
    %get3A_2 = vector.load %arg0[%get3A, %get3A_0, %get3A_1] : memref<2x10240x16xf32, #tpu.memory_space<vmem>>, vector<1x10000x16xf32>
    %get3A_3 = vector.shape_cast %get3A_2 : vector<1x10000x16xf32> to vector<10000x16xf32>
    %get3A_4 = arith.constant 1 : index
    %get3A_5 = arith.constant 0 : index
    %get3A_6 = arith.constant 0 : index
    %get3A_7 = vector.load %arg0[%get3A_4, %get3A_5, %get3A_6] : memref<2x10240x16xf32, #tpu.memory_space<vmem>>, vector<1x10000x16xf32>
    %get3A_8 = vector.shape_cast %get3A_7 : vector<1x10000x16xf32> to vector<10000x16xf32>
    %add3A = arith.addf %get3A_3, %get3A_8 : vector<10000x16xf32>
    %get3A_9 = arith.constant 0 : index
    %get3A_10 = arith.constant 0 : index
    %get3A_11 = vector.load %arg1[%get3A_9, %get3A_10] : memref<10000x16xf32, #tpu.memory_space<vmem>>, vector<10000x16xf32>
    %add3A_12 = arith.addf %add3A, %get3A_11 : vector<10000x16xf32>
    %get3A_13 = arith.constant 0 : index
    %get3A_14 = arith.constant 0 : index
    %get3A_15 = vector.load %arg2[%get3A_13, %get3A_14] : memref<10000x16xf32, #tpu.memory_space<vmem>>, vector<10000x16xf32>
    %mul3A = arith.mulf %add3A_12, %get3A_15 : vector<10000x16xf32>
    %get3A_16 = arith.constant 0 : index
    %get3A_17 = arith.constant 0 : index
    %get3A_18 = vector.load %arg3[%get3A_16, %get3A_17] : memref<1x16xf32, #tpu.memory_space<vmem>>, vector<1x16xf32>
    %add3A_19 = vector.broadcast %get3A_18 : vector<1x16xf32> to vector<10000x16xf32>
    %add3A_20 = arith.addf %mul3A, %add3A_19 : vector<10000x16xf32>
    %swap3A = arith.constant 0 : index
    %swap3A_21 = arith.constant 0 : index
    %swap3A_22 = vector.load %arg4[%swap3A, %swap3A_21] : memref<10000x16xf32, #tpu.memory_space<vmem>>, vector<10000x16xf32>
    tpu.vector_store %arg4[%swap3A, %swap3A_21], %add3A_20 {strides = array<i32>} : memref<10000x16xf32, #tpu.memory_space<vmem>>, vector<10000x16xf32>,
    return
  }
}

</mosaic_0001>

<sc_bundles>
// kernel: kernel.6.cloned.1.call-start
scs
__scs_entry_jumppad:
0x0: {  	(pc) =	sbr.rel $0x88, $3  }
0x1: {  	(tag) =	ssettag $0x0;
	lr =	simm.s32 $0x1  }
0x2: {  	[smem:$0x3F9D] =	sst lr;
	_ =	strace $0xD0000000  }
0x3: {  	_ = 	snop  }
0x4: {  	_ = 	snop  }
0x5: {  	_ = 	snop  }
0x6: {  	_ = 	snop  }
0x7: {  	_ = 	snop  }
__scs_overlays_trampoline_lowered:
0x8: {  	[smem:$0x3FAC] =	sst s0  }
0x9: {  	[smem:$0x3FAD] =	sst s1  }
0xa: {  	[smem:$0x3FAE] =	sst s2  }
0xb: {  	[smem:$0x3FAF] =	sst s3  }
0xc: {  	[smem:$0x3FB0] =	sst s4  }
0xd: {  	[smem:$0x3FB1] =	sst s5  }
0xe: {  	[smem:$0x3FB2] =	sst s6  }
0xf: {  	[smem:$0x3FB3] =	sst s7  }
0x10: {  	[smem:$0x3FB4] =	sst s8  }
0x11: {  	[smem:$0x3FB5] =	sst s9;
	s0 =	simm.s32 @!p0 $0x0  }
0x12: {  	s1 =	sld [smem:$0x3F9B];
	s0 =	simm.s32 @p0 $0x1  }
0x13: {  	[smem:$0x3FB6] =	sst s0;
	s0 =	simm.s32 @!p1 $0x0  }
0x14: {  	s2 =	sld [smem:$0x3F9A];
	s0 =	simm.s32 @p1 $0x1  }
0x15: {  	[smem:$0x3FB7] =	sst s0;
	s0 =	simm.s32 @!p2 $0x0  }
0x16: {  	s3 =	sld [smem:$0x3FDB];
	s0 =	simm.s32 @p2 $0x1  }
0x17: {  	s4 =	simm.s32 $0x1BF5;
	[smem:$0x3FB9] =	sst s0  }
0x18: {  	s0 =	sld [smem:$0x3F9C];
	_ =	swait.ge [sflag:s4], $0x0  }
0x19: {  	s7 =	sld [smem:$0x3F9D]  }
0x1a: {  	s8 =	sadd.s32 $0xFFFFE003, lr  }
0x1b: {  	s9 =	sadd.s32 $0xFFFFFEF7, lr;
	s5 =	simm.s32 $0xFFFFFFFF;
	p2 =	slt.u32 s8, $0xFFFFF086  }
0x1c: {  	p1 =	slt.u32 s9, $0xF7A;
	s5 =	simm.s32 @!p2 $0x0  }
0x1d: {  	s5 =	simm.s32 @p1 $0x1;
	p0 =	seq.s32 s7, s2  }
0x1e: {  	s7 =	smul.u32 @!p0 $0xF7A, s2;
	p2 =	seq.s32 @!p0 s5, $0x0  }
0x1f: {  	s9 =	smul.u32 $0xF7A, s1;
	s8 =	simm.s32 @!p0 $0x1BF5;
	p2 =	por !p2, p0  }
0x20: {  	[sflag:s8] =	ssyncset.s32 @!p0 $0xFFFFF086;
	s6 =	sadd.s32 @!p0 s3, s7;
	s7 =	simm.s32 @!p0 $0x108  }
0x21: {  	s3 =	sadd.s32 s3, s9;
	s6 =	sadd.s32 @!p0 $0x88, s6;
	s7 =	simm.s32 @p2 $0x1082  }
0x22: {  	[simem:s7], [sflag:s8] =	dma.local @!p0 [hbm:s6], $0xF7A  }
0x23: {  	s9 =	sor.u32 $0xD0000000, s2;
	s6 =	simm.s32 $0x108;
	_ =	swait.ge @!p0 [sflag:s8], $0x0  }
0x24: {  	s3 =	sadd.s32 $0x88, s3;
	s6 =	simm.s32 @!p1 $0x1082;
	[sflag:s4] =	ssyncset.s32 $0xFFFFF086  }
0x25: {  	[simem:s6], [sflag:s4] =	dma.local [hbm:s3], $0xF7A  }
0x26: {  	[smem:$0x3F9D] =	sst s1;
	(tag) =	ssettag s2;
	_ =	strace s9  }
0x27: {  	s1 =	sld [smem:$0x3FAD]  }
0x28: {  	s2 =	sld [smem:$0x3FAE]  }
0x29: {  	s4 =	sld [smem:$0x3FB0]  }
0x2a: {  	p0 =	seq.s32 s5, $0x0;
	s5 =	sld [smem:$0x3FB1]  }
0x2b: {  	s6 =	sld [smem:$0x3FB2]  }
0x2c: {  	s7 =	sld [smem:$0x3FB3]  }
0x2d: {  	s3 =	simm.s32 $0x108;
	s8 =	sld [smem:$0x3FB4]  }
0x2e: {  	s3 =	simm.s32 @!p0 $0x1082;
	s9 =	sld [smem:$0x3FB5]  }
0x2f: {  	lr =	sadd.s32 s0, s3;
	s0 =	sld [smem:$0x3FAC]  }
0x30: {  	s3 =	sld [smem:$0x3FAF]  }
0x31: {  	[smem:$0x3FB8] =	sst s10  }
0x32: {  	s10 =	sld [smem:$0x3FB6];
	_ =	sdelay $0x3  }
0x33: {  	p0 =	seq.s32 s10, $0x1;
	s10 =	sld [smem:$0x3FB8];
	_ =	sdelay $0x3  }
0x34: {  	[smem:$0x3FB8] =	sst s10  }
0x35: {  	s10 =	sld [smem:$0x3FB7];
	_ =	sdelay $0x3  }
0x36: {  	p1 =	seq.s32 s10, $0x1;
	s10 =	sld [smem:$0x3FB8];
	_ =	sdelay $0x3  }
0x37: {  	[smem:$0x3FB8] =	sst s10  }
0x38: {  	s10 =	sld [smem:$0x3FB9]  }
0x39: {  	_ = 	snop;
	(pc) =	sbr.ind lr, $3  }
0x3a: {  	_ = 	snop  }
0x3b: {  	_ = 	snop  }
0x3c: {  	p2 =	seq.s32 s10, $0x1;
	s10 =	sld [smem:$0x3FB8]  }
0x3d: {  	_ =	shalt  }
0x3e: {  	_ =	shalt  }
0x3f: {  	_ =	shalt  }
0x40: {  	_ =	shalt  }
0x41: {  	_ =	shalt  }
0x42: {  	_ =	shalt  }
0x43: {  	_ =	shalt  }
0x44: {  	_ =	shalt  }
0x45: {  	_ =	shalt  }
0x46: {  	_ =	shalt  }
0x47: {  	_ =	shalt  }
0x48: {  	_ =	shalt  }
0x49: {  	_ =	shalt  }
0x4a: {  	_ =	shalt  }
0x4b: {  	_ =	shalt  }
0x4c: {  	_ =	shalt  }
0x4d: {  	_ =	shalt  }
0x4e: {  	_ =	shalt  }
0x4f: {  	_ =	shalt  }
0x50: {  	_ =	shalt  }
0x51: {  	_ =	shalt  }
0x52: {  	_ =	shalt  }
0x53: {  	_ =	shalt  }
0x54: {  	_ =	shalt  }
0x55: {  	_ =	shalt  }
0x56: {  	_ =	shalt  }
0x57: {  	_ =	shalt  }
0x58: {  	_ =	shalt  }
0x59: {  	_ =	shalt  }
0x5a: {  	_ =	shalt  }
0x5b: {  	_ =	shalt  }
0x5c: {  	_ =	shalt  }
0x5d: {  	_ =	shalt  }
0x5e: {  	_ =	shalt  }
0x5f: {  	_ =	shalt  }
0x60: {  	_ =	shalt  }
0x61: {  	_ =	shalt  }
0x62: {  	_ =	shalt  }
0x63: {  	_ =	shalt  }
0x64: {  	_ =	shalt  }
0x65: {  	_ =	shalt  }
0x66: {  	_ =	shalt  }
0x67: {  	_ =	shalt  }
0x68: {  	_ =	shalt  }
0x69: {  	_ =	shalt  }
0x6a: {  	_ =	shalt  }
0x6b: {  	_ =	shalt  }
0x6c: {  	_ =	shalt  }
0x6d: {  	_ =	shalt  }
0x6e: {  	_ =	shalt  }
0x6f: {  	_ =	shalt  }
0x70: {  	_ =	shalt  }
0x71: {  	_ =	shalt  }
0x72: {  	_ =	shalt  }
0x73: {  	_ =	shalt  }
0x74: {  	_ =	shalt  }
0x75: {  	_ =	shalt  }
0x76: {  	_ =	shalt  }
0x77: {  	_ =	shalt  }
0x78: {  	_ =	shalt  }
0x79: {  	_ =	shalt  }
0x7a: {  	_ =	shalt  }
0x7b: {  	_ =	shalt  }
0x7c: {  	_ =	shalt  }
0x7d: {  	_ =	shalt  }
0x7e: {  	_ =	shalt  }
0x7f: {  	_ =	shalt  }
0x80: {  	_ =	shalt  }
0x81: {  	_ =	shalt  }
0x82: {  	_ =	shalt  }
0x83: {  	_ =	shalt  }
0x84: {  	_ =	shalt  }
0x85: {  	_ =	shalt  }
0x86: {  	_ =	shalt  }
0x87: {  	_ =	shalt  }
.Lfunc_end0:
.L_simem_size_0:
called_computation_lowered:
.L_overlay_start_0:
0x88: {  	s2 =	sld [smem:$0x3FD9]  }
0x89: {  	s3 =	sld [smem:$0x3FFE];
	_ =	sdelay $0x1  }
0x8a: {  	s1 =	srdreg.scid  }
0x8b: {  	s0 =	sand.u32 $0x1, s1  }
0x8c: {  	s17 =	sshll.u32 s0, $0xA;
	s2 =	sadd.s32 s3, s2  }
0x8d: {  	s2 =	sadd.s32 s2, s17  }
0x8e: {  	[smem:$0x3FC4] =	sst s2  }
0x8f: {  	_ = 	snop  }
0x90: {  	s2 =	sld [smem:$0x3FD0];
	(tm) =	ssettm $0x1  }
0x91: {  	s18 =	sld [smem:$0x3FFB];
	_ =	sdelay $0x3  }
0x92: {  	_ =	strace s18  }
0x93: {  	s3 =	sld [smem:$0x3FFC];
	_ =	sdelay $0x3  }
0x94: {  	_ =	strace s3  }
0x95: {  	s3 =	sld [smem:$0x3FFD];
	_ =	sdelay $0x3  }
0x96: {  	_ =	strace s3  }
0x97: {  	_ =	strace $0x8FFFFFFF  }
0x98: {  	s19 =	sld [smem:$0x3FDB];
	_ =	sdelay $0x1  }
0x99: {  	s4 =	simm.s32 $_scs_section_size  }
0x9a: {  	s5 =	simm.s32 $_size__tile_overlayer_lowered;
	s6 =	simm.s32 $_tile_overlayer_lowered  }
0x9b: {  	s22 =	simm.s32 $0x1BFF;
	s21 =	sshll.u32 s6, $0x1;
	s3 =	sadd.s32 s4, s19  }
0x9c: {  	s7 =	simm.s32 $0x0;
	s20 =	sshll.u32 s5, $0x1;
	s5 =	sadd.s32 s21, s3  }
0x9d: {  	[timem:s7], [sflag:s22] =	dma.local [hbm:s5], s20  }
0x9e: {  	_ =	swait.ge [sflag:s22], s20  }
0x9f: {  	s4 =	ssub.s32 $0x0, s20;
	[sflag:s22] =	ssyncset.done $0x0  }
0xa0: {  	[sflag:s22] =	ssyncadd.s32 s4;
	_ =	sdelay $0x1  }
0xa1: {  	s23 =	simm.s32 $0x1B8B  }
0xa2: {  	_ =	swait.ge [sflag:s23], $0x1  }
0xa3: {  	[sflag:s23] =	ssyncset.done $0x0  }
0xa4: {  	s25 =	simm.s32 $0x1B8E;
	s24 =	sld [smem:$0x3FFE];
	[sflag:s23] =	ssyncadd.s32 $0xFFFFFFFF  }
0xa5: {  	s26 =	simm.s32 $execute0_lowered;
	[smem:$0x3FD2] =	sst s25  }
0xa6: {  	s5 =	sshll.u32 s26, $0x1;
	_ =	strace $0x80000046;
	[dreg:$0x1] =	wrdreg $0xFFFFFFFF  }
0xa7: {  	s28 =	simm.s32 $_size_execute0_lowered;
	s3 =	sadd.s32 s3, s5;
	[dreg:$0x0] =	wrdreg $0x0  }
0xa8: {  	s5 =	sshll.u32 s28, $0x1;
	[dreg:$0x2] =	wrdreg s3  }
0xa9: {  	[dreg:$0x3] =	wrdreg s5  }
0xaa: {  	[dreg:$0x4] =	wrdreg $0xC0  }
0xab: {  	_ =	task [dreg:s7], $0x5FFFF  }
0xac: {  	[dreg:$0x1] =	wrdreg $0xFFFFFFFF  }
0xad: {  	[dreg:$0x0] =	wrdreg $0x60  }
0xae: {  	[dreg:$0x2] =	wrdreg s24  }
0xaf: {  	[dreg:$0x3] =	wrdreg s2  }
0xb0: {  	[dreg:$0x4] =	wrdreg $0x28800  }
0xb1: {  	[dreg:$0x5] =	wrdreg $0x9  }
0xb2: {  	_ =	task.clear_ibuf [dreg:s7], $0x6FFFF;
	_ =	strace $0x90000046  }
0xb3: {  	s29 =	simm.s32 $0x9;
	_ =	strace $0x80000048  }
0xb4: {  	_ =	swait.ge [sflag:s29], $0x1  }
0xb5: {  	[sflag:s29] =	ssyncadd.s32 $0xFFFFFFFF  }
0xb6: {  	_ =	strace $0x90000048  }
0xb7: {  	_ =	sfence  }
0xb8: {  	s30 =	sld [smem:$0x0];
	_ =	sdelay $0x2  }
0xb9: {  	s31 =	sshll.u32 s1, $0xD;
	s1 =	sshrl.u32 s1, $0x2  }
0xba: {  	s3 =	sand.u32 $0x4000, s31;
	s1 =	sadd.s32 s1, s30  }
0xbb: {  	s0 =	sor.u32 s3, s0;
	s1 =	sshll.u32 s1, $0x11  }
0xbc: {  	s0 =	sor.u32 s1, s0  }
0xbd: {  	s0 =	sadd.s32 $0x8F2B, s0  }
0xbe: {  	[sflag:s0] =	ssyncadd.remote.s32 $0x1  }
0xbf: {  	_ =	sfence.sel $0xFFFF  }
0xc0: {  	[dreg:$0x0] =	wrdreg $0xFFFFFFFF;
	(pc) =	sbr.abs _section_cstart, $3  }
0xc1: {  	[dreg:$0x1] =	wrdreg $0xFFFFFFFF  }
0xc2: {  	_ =	task.clear_ibuf [dreg:s7], $0x2FFFF;
	_ =	strace $0x9FFFFFFF  }
0xc3: {  	(tm) =	ssettm $0x7FFFFFFF  }
tec
execute0_lowered:
.L_overlay_start_1:
0x0: {  	(tag) =	ssettag $0x1  }
0x1: {  	s5 =	rddreg [dreg:$0x0]  }
0x2: {  	s7 =	rddreg [dreg:$0x1]  }
0x3: {  	s0 =	srdreg.scid;
	s2 =	rddreg [dreg:$0x2];
	s3 =	simm.s32 $0x0  }
0x4: {  	s13 =	simm.s32 $0x80;
	s4 =	sand.u32 $0x1, s0;
	s0 =	stileid.u32  }
0x5: {  	s14 =	simm.s32 $0x1;
	s15 =	simm.s32 $0x0;
	s8 =	smul.u32 $0x280, s0  }
0x6: {  	[smem:$0x7FF] =	sst s3;
	s1 =	sshll.u32 s4, $0x4;
	s9 =	smul.u32 $0x2800, s4  }
0x7: {  	s10 =	ssub.s32 $0x2, s4;
	s4 =	sadd.s32 $0xB000, s5;
	s1 =	sor.u32 s0, s1  }
0x8: {  	s31 =	sshll.u32 s0, $0x6;
	s11 =	sshrl.u32 s10, $0x1;
	s6 =	smul.u32 $0x500, s1  }
0x9: {  	s1 =	rddreg [dreg:$0x3];
	_ =	strace $0x80000047;
	s9 =	sadd.s32 s8, s9  }
0xa: {  	s10 =	ssub.s32 s10, s11;
	s12 =	sadd.s32 s8, s2;
	s11 =	sor.u32 $0x1C02, s31  }
0xb: {  	s9 =	sshrl.u32 s9, $0x3;
	s8 =	smax.u32 s10, $0x1;
	s10 =	simm.s32 $0x2800  }
0xc: {  	s12 =	sshrl.u32 s12, $0x3;
	s6 =	sadd.s32 s6, s5;
	s5 =	sadd.s32 $0xAE00, s5  }
0xd: {  	s7 =	sadd.s32 s7, s9;
	s9 =	simm.s32 $0x2;
	s6 =	sadd.s32 $0xE00, s6  }
.LBB2_1:
0xe: {  	[tilespmem:s3], [sflag:$0x2] =	stream.linear.gather [hbm4b:s6+s3], $0x2800, $0x38;
	[tilespmem:$0x2B00] =	vst v63  }
0xf: {  	_ =	swait.ge [sflag:s9], $0x2800  }
0x10: {  	[sflag:s9] =	ssyncset.done $0x0  }
0x11: {  	[sflag:s9] =	ssyncadd.s32 $0xFFFFD800  }
0x12: {  	[tilespmem:s10], [sflag:$0x2] =	stream.linear.gather [hbm4b:s5+s3], $0x80, $0x38;
	[tilespmem:$0x2B00] =	vst v63  }
0x13: {  	_ =	swait.ge [sflag:s9], $0x80  }
0x14: {  	[sflag:s9] =	ssyncset.done $0x0  }
0x15: {  	[sflag:s9] =	ssyncadd.s32 $0xFFFFFF80  }
0x16: {  	[spmem:s12], [sflag:s11] =	dma.local [hbm:s4], $0x50  }
0x17: {  	_ =	swait.ge [sflag:s9], $0x50  }
0x18: {  	[sflag:s9] =	ssyncset.done $0x0  }
0x19: {  	[sflag:s9] =	ssyncadd.s32 $0xFFFFFFB0  }
0x1a: {  	s16 =	simm.s32 $0x0;
	[bflag:$0x0] =	sbarrier.arrive $0xFFFF  }
.LBB2_2:
0x1b: {  	p0 =	sne.s32 s16, $0x9E00  }
.Ltmp0:
0x1c: {  	_ = 	snop;
	(pc) =	sbr.rel @p0 .LBB2_2-.Ltmp0, $3  }
0x1d: {  	_ =	sdelay $0x1  }
0x1e: {  	s17 =	sshra.s32 s16, $0x2;
	s16 =	sadd.s32 $0x200, s16  }
0x1f: {  	[spmem:s2] =	stream.indirect.scatter.add.f32 [tilespmem:s10], [sflag:$0x1], $0x1, s17, s13, $0xb8;
	[tilespmem:$0x2B00] =	vst v63  }
0x20: {  	_ =	swait.ge [sflag:s14], $0x80  }
0x21: {  	s16 =	simm.s32 $0x4F;
	[sflag:s14] =	ssyncset.done $0x0  }
.LBB2_4:
0x22: {  	p0 =	sne.s32 s16, $0x1;
	s16 =	sadd.s32 $0xFFFFFFFF, s16;
	[sflag:s14] =	ssyncadd.s32 $0xFFFFFF80  }
.Ltmp1:
0x23: {  	(pc) =	sbr.rel @p0 .LBB2_4-.Ltmp1, $3  }
0x24: {  	_ =	sdelay $0x1  }
0x25: {  	_ =	swait.ge [sflag:s14], $0x80  }
0x26: {  	[sflag:s14] =	ssyncset.done $0x0  }
0x27: {  	s15 =	sadd.s32 $0x1, s15  }
0x28: {  	[sflag:s14] =	ssyncadd.s32 $0xFFFFFF80;
	p0 =	sne.s32 s15, s8  }
.Ltmp2:
0x29: {  	[bflag:$0x0] =	sbarrier.arrive $0xFFFF;
	(pc) =	sbr.rel @p0 .LBB2_1-.Ltmp2, $4  }
0x2a: {  	[hbm:s7], [sflag:s11] =	dma.local [spmem:s12], $0x50  }
0x2b: {  	_ =	swait.ge [sflag:s9], $0x50  }
0x2c: {  	[sflag:s9] =	ssyncset.done $0x0  }
0x2d: {  	[sflag:s9] =	ssyncadd.s32 $0xFFFFFFB0  }
0x2e: {  	_ =	sfence.sel $0x180000  }
0x2f: {  	[bflag:$0x0] =	sbarrier.arrive $0xFFFF  }
0x30: {  	p0 =	sne.s32 s0, $0x0;
	_ =	strace $0x90000047  }
0x31: {  	s0 =	sadd.s32 @!p0 $0x100000, s1;
	[bflag:$0x2] =	sbarrier.arrive $0xFFFF  }
0x32: {  	[sflag:s0] =	ssyncadd.tile.s32 @!p0 $0x1;
	_ =	shalt  }
.Lfunc_end2:
_tile_overlayer_lowered:
.L_overlay_start_2:
0x33: {  	(tag) =	ssettag $0x2  }
0x34: {  	s0 =	rddreg [dreg:$0x0];
	s2 =	stileid.u32  }
0x35: {  	s1 =	rddreg [dreg:$0x1];
	p0 =	sne.s32 s2, $0x0  }
0x36: {  	s3 =	rddreg [dreg:$0x2];
	[bflag:$0x3] =	sbarrier.arrive $0xFFFF;
	s2 =	simm.s32 @!p0 $0x1C02  }
0x37: {  	[timem:s3], [sflag:s2] =	dma.local @!p0 [hbm:s0], s1  }
0x38: {  	s0 =	simm.s32 @!p0 $0x2  }
0x39: {  	_ =	swait.ge @!p0 [sflag:s0], s1  }
0x3a: {  	s1 =	ssub.s32 @!p0 $0x0, s1;
	[sflag:s0] =	ssyncset.done @!p0 $0x0  }
0x3b: {  	[sflag:s0] =	ssyncadd.s32 @!p0 s1  }
0x3c: {  	[bflag:$0x3] =	sbarrier.arrive $0xFFFF  }
0x3d: {  	_ =	shalt  }

// kernel: kernel.9.cloned.1.call-start
scs
__scs_entry_jumppad:
0x0: {  	(pc) =	sbr.rel $0x88, $3  }
0x1: {  	(tag) =	ssettag $0x0;
	lr =	simm.s32 $0x1  }
0x2: {  	[smem:$0x3F9D] =	sst lr;
	_ =	strace $0xD0000000  }
0x3: {  	_ = 	snop  }
0x4: {  	_ = 	snop  }
0x5: {  	_ = 	snop  }
0x6: {  	_ = 	snop  }
0x7: {  	_ = 	snop  }
__scs_overlays_trampoline_lowered:
0x8: {  	[smem:$0x3FAC] =	sst s0  }
0x9: {  	[smem:$0x3FAD] =	sst s1  }
0xa: {  	[smem:$0x3FAE] =	sst s2  }
0xb: {  	[smem:$0x3FAF] =	sst s3  }
0xc: {  	[smem:$0x3FB0] =	sst s4  }
0xd: {  	[smem:$0x3FB1] =	sst s5  }
0xe: {  	[smem:$0x3FB2] =	sst s6  }
0xf: {  	[smem:$0x3FB3] =	sst s7  }
0x10: {  	[smem:$0x3FB4] =	sst s8  }
0x11: {  	[smem:$0x3FB5] =	sst s9;
	s0 =	simm.s32 @!p0 $0x0  }
0x12: {  	s1 =	sld [smem:$0x3F9B];
	s0 =	simm.s32 @p0 $0x1  }
0x13: {  	[smem:$0x3FB6] =	sst s0;
	s0 =	simm.s32 @!p1 $0x0  }
0x14: {  	s2 =	sld [smem:$0x3F9A];
	s0 =	simm.s32 @p1 $0x1  }
0x15: {  	[smem:$0x3FB7] =	sst s0;
	s0 =	simm.s32 @!p2 $0x0  }
0x16: {  	s3 =	sld [smem:$0x3FDB];
	s0 =	simm.s32 @p2 $0x1  }
0x17: {  	s4 =	simm.s32 $0x1BF5;
	[smem:$0x3FB9] =	sst s0  }
0x18: {  	s0 =	sld [smem:$0x3F9C];
	_ =	swait.ge [sflag:s4], $0x0  }
0x19: {  	s7 =	sld [smem:$0x3F9D]  }
0x1a: {  	s8 =	sadd.s32 $0xFFFFE003, lr  }
0x1b: {  	s9 =	sadd.s32 $0xFFFFFEF7, lr;
	s5 =	simm.s32 $0xFFFFFFFF;
	p2 =	slt.u32 s8, $0xFFFFF086  }
0x1c: {  	p1 =	slt.u32 s9, $0xF7A;
	s5 =	simm.s32 @!p2 $0x0  }
0x1d: {  	s5 =	simm.s32 @p1 $0x1;
	p0 =	seq.s32 s7, s2  }
0x1e: {  	s7 =	smul.u32 @!p0 $0xF7A, s2;
	p2 =	seq.s32 @!p0 s5, $0x0  }
0x1f: {  	s9 =	smul.u32 $0xF7A, s1;
	s8 =	simm.s32 @!p0 $0x1BF5;
	p2 =	por !p2, p0  }
0x20: {  	[sflag:s8] =	ssyncset.s32 @!p0 $0xFFFFF086;
	s6 =	sadd.s32 @!p0 s3, s7;
	s7 =	simm.s32 @!p0 $0x108  }
0x21: {  	s3 =	sadd.s32 s3, s9;
	s6 =	sadd.s32 @!p0 $0x88, s6;
	s7 =	simm.s32 @p2 $0x1082  }
0x22: {  	[simem:s7], [sflag:s8] =	dma.local @!p0 [hbm:s6], $0xF7A  }
0x23: {  	s9 =	sor.u32 $0xD0000000, s2;
	s6 =	simm.s32 $0x108;
	_ =	swait.ge @!p0 [sflag:s8], $0x0  }
0x24: {  	s3 =	sadd.s32 $0x88, s3;
	s6 =	simm.s32 @!p1 $0x1082;
	[sflag:s4] =	ssyncset.s32 $0xFFFFF086  }
0x25: {  	[simem:s6], [sflag:s4] =	dma.local [hbm:s3], $0xF7A  }
0x26: {  	[smem:$0x3F9D] =	sst s1;
	(tag) =	ssettag s2;
	_ =	strace s9  }
0x27: {  	s1 =	sld [smem:$0x3FAD]  }
0x28: {  	s2 =	sld [smem:$0x3FAE]  }
0x29: {  	s4 =	sld [smem:$0x3FB0]  }
0x2a: {  	p0 =	seq.s32 s5, $0x0;
	s5 =	sld [smem:$0x3FB1]  }
0x2b: {  	s6 =	sld [smem:$0x3FB2]  }
0x2c: {  	s7 =	sld [smem:$0x3FB3]  }
0x2d: {  	s3 =	simm.s32 $0x108;
	s8 =	sld [smem:$0x3FB4]  }
0x2e: {  	s3 =	simm.s32 @!p0 $0x1082;
	s9 =	sld [smem:$0x3FB5]  }
0x2f: {  	lr =	sadd.s32 s0, s3;
	s0 =	sld [smem:$0x3FAC]  }
0x30: {  	s3 =	sld [smem:$0x3FAF]  }
0x31: {  	[smem:$0x3FB8] =	sst s10  }
0x32: {  	s10 =	sld [smem:$0x3FB6];
	_ =	sdelay $0x3  }
0x33: {  	p0 =	seq.s32 s10, $0x1;
	s10 =	sld [smem:$0x3FB8];
	_ =	sdelay $0x3  }
0x34: {  	[smem:$0x3FB8] =	sst s10  }
0x35: {  	s10 =	sld [smem:$0x3FB7];
	_ =	sdelay $0x3  }
0x36: {  	p1 =	seq.s32 s10, $0x1;
	s10 =	sld [smem:$0x3FB8];
	_ =	sdelay $0x3  }
0x37: {  	[smem:$0x3FB8] =	sst s10  }
0x38: {  	s10 =	sld [smem:$0x3FB9]  }
0x39: {  	_ = 	snop;
	(pc) =	sbr.ind lr, $3  }
0x3a: {  	_ = 	snop  }
0x3b: {  	_ = 	snop  }
0x3c: {  	p2 =	seq.s32 s10, $0x1;
	s10 =	sld [smem:$0x3FB8]  }
0x3d: {  	_ =	shalt  }
0x3e: {  	_ =	shalt  }
0x3f: {  	_ =	shalt  }
0x40: {  	_ =	shalt  }
0x41: {  	_ =	shalt  }
0x42: {  	_ =	shalt  }
0x43: {  	_ =	shalt  }
0x44: {  	_ =	shalt  }
0x45: {  	_ =	shalt  }
0x46: {  	_ =	shalt  }
0x47: {  	_ =	shalt  }
0x48: {  	_ =	shalt  }
0x49: {  	_ =	shalt  }
0x4a: {  	_ =	shalt  }
0x4b: {  	_ =	shalt  }
0x4c: {  	_ =	shalt  }
0x4d: {  	_ =	shalt  }
0x4e: {  	_ =	shalt  }
0x4f: {  	_ =	shalt  }
0x50: {  	_ =	shalt  }
0x51: {  	_ =	shalt  }
0x52: {  	_ =	shalt  }
0x53: {  	_ =	shalt  }
0x54: {  	_ =	shalt  }
0x55: {  	_ =	shalt  }
0x56: {  	_ =	shalt  }
0x57: {  	_ =	shalt  }
0x58: {  	_ =	shalt  }
0x59: {  	_ =	shalt  }
0x5a: {  	_ =	shalt  }
0x5b: {  	_ =	shalt  }
0x5c: {  	_ =	shalt  }
0x5d: {  	_ =	shalt  }
0x5e: {  	_ =	shalt  }
0x5f: {  	_ =	shalt  }
0x60: {  	_ =	shalt  }
0x61: {  	_ =	shalt  }
0x62: {  	_ =	shalt  }
0x63: {  	_ =	shalt  }
0x64: {  	_ =	shalt  }
0x65: {  	_ =	shalt  }
0x66: {  	_ =	shalt  }
0x67: {  	_ =	shalt  }
0x68: {  	_ =	shalt  }
0x69: {  	_ =	shalt  }
0x6a: {  	_ =	shalt  }
0x6b: {  	_ =	shalt  }
0x6c: {  	_ =	shalt  }
0x6d: {  	_ =	shalt  }
0x6e: {  	_ =	shalt  }
0x6f: {  	_ =	shalt  }
0x70: {  	_ =	shalt  }
0x71: {  	_ =	shalt  }
0x72: {  	_ =	shalt  }
0x73: {  	_ =	shalt  }
0x74: {  	_ =	shalt  }
0x75: {  	_ =	shalt  }
0x76: {  	_ =	shalt  }
0x77: {  	_ =	shalt  }
0x78: {  	_ =	shalt  }
0x79: {  	_ =	shalt  }
0x7a: {  	_ =	shalt  }
0x7b: {  	_ =	shalt  }
0x7c: {  	_ =	shalt  }
0x7d: {  	_ =	shalt  }
0x7e: {  	_ =	shalt  }
0x7f: {  	_ =	shalt  }
0x80: {  	_ =	shalt  }
0x81: {  	_ =	shalt  }
0x82: {  	_ =	shalt  }
0x83: {  	_ =	shalt  }
0x84: {  	_ =	shalt  }
0x85: {  	_ =	shalt  }
0x86: {  	_ =	shalt  }
0x87: {  	_ =	shalt  }
.Lfunc_end0:
.L_simem_size_0:
called_computation.1_lowered:
.L_overlay_start_0:
0x88: {  	s2 =	sld [smem:$0x3FD9]  }
0x89: {  	s3 =	sld [smem:$0x3FFE];
	_ =	sdelay $0x1  }
0x8a: {  	s1 =	srdreg.scid  }
0x8b: {  	s0 =	sand.u32 $0x1, s1  }
0x8c: {  	s17 =	sshll.u32 s0, $0xA;
	s2 =	sadd.s32 s3, s2  }
0x8d: {  	s2 =	sadd.s32 s2, s17  }
0x8e: {  	[smem:$0x3FC4] =	sst s2  }
0x8f: {  	_ = 	snop  }
0x90: {  	s2 =	sld [smem:$0x3FD0];
	(tm) =	ssettm $0x1  }
0x91: {  	s18 =	sld [smem:$0x3FFB];
	_ =	sdelay $0x3  }
0x92: {  	_ =	strace s18  }
0x93: {  	s3 =	sld [smem:$0x3FFC];
	_ =	sdelay $0x3  }
0x94: {  	_ =	strace s3  }
0x95: {  	s3 =	sld [smem:$0x3FFD];
	_ =	sdelay $0x3  }
0x96: {  	_ =	strace s3  }
0x97: {  	_ =	strace $0x8FFFFFFF  }
0x98: {  	s19 =	sld [smem:$0x3FDB];
	_ =	sdelay $0x1  }
0x99: {  	s4 =	simm.s32 $_scs_section_size  }
0x9a: {  	s5 =	simm.s32 $_size__tile_overlayer_lowered;
	s6 =	simm.s32 $_tile_overlayer_lowered  }
0x9b: {  	s22 =	simm.s32 $0x1BFF;
	s21 =	sshll.u32 s6, $0x1;
	s3 =	sadd.s32 s4, s19  }
0x9c: {  	s7 =	simm.s32 $0x0;
	s20 =	sshll.u32 s5, $0x1;
	s5 =	sadd.s32 s21, s3  }
0x9d: {  	[timem:s7], [sflag:s22] =	dma.local [hbm:s5], s20  }
0x9e: {  	_ =	swait.ge [sflag:s22], s20  }
0x9f: {  	s4 =	ssub.s32 $0x0, s20;
	[sflag:s22] =	ssyncset.done $0x0  }
0xa0: {  	[sflag:s22] =	ssyncadd.s32 s4;
	_ =	sdelay $0x1  }
0xa1: {  	s23 =	simm.s32 $0x1B8B  }
0xa2: {  	_ =	swait.ge [sflag:s23], $0x1  }
0xa3: {  	[sflag:s23] =	ssyncset.done $0x0  }
0xa4: {  	s25 =	simm.s32 $0x1B8E;
	s24 =	sld [smem:$0x3FFE];
	[sflag:s23] =	ssyncadd.s32 $0xFFFFFFFF  }
0xa5: {  	s26 =	simm.s32 $execute0_lowered;
	[smem:$0x3FD2] =	sst s25  }
0xa6: {  	s5 =	sshll.u32 s26, $0x1;
	_ =	strace $0x80000049;
	[dreg:$0x1] =	wrdreg $0xFFFFFFFF  }
0xa7: {  	s28 =	simm.s32 $_size_execute0_lowered;
	s3 =	sadd.s32 s3, s5;
	[dreg:$0x0] =	wrdreg $0x0  }
0xa8: {  	s5 =	sshll.u32 s28, $0x1;
	[dreg:$0x2] =	wrdreg s3  }
0xa9: {  	[dreg:$0x3] =	wrdreg s5  }
0xaa: {  	[dreg:$0x4] =	wrdreg $0xC0  }
0xab: {  	_ =	task [dreg:s7], $0x5FFFF  }
0xac: {  	[dreg:$0x1] =	wrdreg $0xFFFFFFFF  }
0xad: {  	[dreg:$0x0] =	wrdreg $0x60  }
0xae: {  	[dreg:$0x2] =	wrdreg s24  }
0xaf: {  	[dreg:$0x3] =	wrdreg s2  }
0xb0: {  	[dreg:$0x4] =	wrdreg $0x90000  }
0xb1: {  	[dreg:$0x5] =	wrdreg $0x9  }
0xb2: {  	_ =	task.clear_ibuf [dreg:s7], $0x6FFFF;
	_ =	strace $0x90000049  }
0xb3: {  	s29 =	simm.s32 $0x9;
	_ =	strace $0x8000004B  }
0xb4: {  	_ =	swait.ge [sflag:s29], $0x1  }
0xb5: {  	[sflag:s29] =	ssyncadd.s32 $0xFFFFFFFF  }
0xb6: {  	_ =	strace $0x9000004B  }
0xb7: {  	_ =	sfence  }
0xb8: {  	s30 =	sld [smem:$0x0];
	_ =	sdelay $0x2  }
0xb9: {  	s31 =	sshll.u32 s1, $0xD;
	s1 =	sshrl.u32 s1, $0x2  }
0xba: {  	s3 =	sand.u32 $0x4000, s31;
	s1 =	sadd.s32 s1, s30  }
0xbb: {  	s0 =	sor.u32 s3, s0;
	s1 =	sshll.u32 s1, $0x11  }
0xbc: {  	s0 =	sor.u32 s1, s0  }
0xbd: {  	s0 =	sadd.s32 $0x8F2B, s0  }
0xbe: {  	[sflag:s0] =	ssyncadd.remote.s32 $0x1  }
0xbf: {  	_ =	sfence.sel $0xFFFF  }
0xc0: {  	[dreg:$0x0] =	wrdreg $0xFFFFFFFF;
	(pc) =	sbr.abs _section_cstart, $3  }
0xc1: {  	[dreg:$0x1] =	wrdreg $0xFFFFFFFF  }
0xc2: {  	_ =	task.clear_ibuf [dreg:s7], $0x2FFFF;
	_ =	strace $0x9FFFFFFF  }
0xc3: {  	(tm) =	ssettm $0x7FFFFFFF  }
tec
execute0_lowered:
.L_overlay_start_1:
0x0: {  	(tag) =	ssettag $0x1  }
0x1: {  	s6 =	rddreg [dreg:$0x0]  }
0x2: {  	s0 =	srdreg.scid;
	s2 =	rddreg [dreg:$0x1]  }
0x3: {  	s3 =	rddreg [dreg:$0x2];
	s4 =	simm.s32 $0x0;
	s14 =	simm.s32 $0x80  }
0x4: {  	s15 =	simm.s32 $0x5000;
	s16 =	simm.s32 $0x5800;
	s17 =	simm.s32 $0x6000  }
0x5: {  	s18 =	simm.s32 $0x6800;
	s19 =	simm.s32 $0x7000;
	s20 =	simm.s32 $0x7800  }
0x6: {  	s21 =	simm.s32 $0x8000;
	s22 =	simm.s32 $0x8800;
	s23 =	simm.s32 $0x1  }
0x7: {  	s24 =	simm.s32 $0x2;
	s5 =	sand.u32 $0x1, s0;
	s0 =	stileid.u32  }
0x8: {  	s25 =	simm.s32 $0x0;
	[smem:$0x7FF] =	sst s4;
	s8 =	smul.u32 $0x2800, s0  }
0x9: {  	s1 =	sshll.u32 s5, $0x4;
	s9 =	smul.u32 $0x28000, s5;
	s10 =	ssub.s32 $0x2, s5  }
0xa: {  	s5 =	sadd.s32 $0x15200, s6;
	s12 =	sshll.u32 s0, $0x6;
	s1 =	sor.u32 s0, s1  }
0xb: {  	s11 =	sshrl.u32 s10, $0x1;
	s12 =	sor.u32 $0x1C03, s12;
	s7 =	smul.u32 $0x500, s1  }
0xc: {  	s1 =	rddreg [dreg:$0x3];
	_ =	strace $0x8000004A;
	s9 =	sadd.s32 s8, s9  }
0xd: {  	s10 =	ssub.s32 s10, s11;
	s13 =	sadd.s32 s8, s3;
	s11 =	simm.s32 $0x2800  }
0xe: {  	s9 =	sshrl.u32 s9, $0x3;
	s13 =	sshrl.u32 s13, $0x3;
	s7 =	sadd.s32 s7, s6  }
0xf: {  	s9 =	sadd.s32 s9, s6;
	s6 =	sadd.s32 $0xB200, s7;
	s7 =	sadd.s32 $0xE00, s7  }
0x10: {  	s8 =	sadd.s32 $0x15800, s9;
	s9 =	smax.u32 s10, $0x1;
	s10 =	simm.s32 $0x3  }
.LBB2_1:
0x11: {  	[tilespmem:s4], [sflag:$0x3] =	stream.linear.gather [hbm4b:s6+s4], $0x2800, $0x38;
	[tilespmem:$0xB800] =	vst v63  }
0x12: {  	_ =	swait.ge [sflag:s10], $0x2800  }
0x13: {  	[sflag:s10] =	ssyncset.done $0x0  }
0x14: {  	[sflag:s10] =	ssyncadd.s32 $0xFFFFD800  }
0x15: {  	[tilespmem:s11], [sflag:$0x3] =	stream.linear.gather [hbm4b:s7+s4], $0x2800, $0x38;
	[tilespmem:$0xB800] =	vst v63  }
0x16: {  	_ =	swait.ge [sflag:s10], $0x2800  }
0x17: {  	[sflag:s10] =	ssyncset.done $0x0  }
0x18: {  	[sflag:s10] =	ssyncadd.s32 $0xFFFFD800  }
0x19: {  	[spmem:s13], [sflag:s12] =	dma.local [hbm:s5], $0x500  }
0x1a: {  	_ =	swait.ge [sflag:s10], $0x500  }
0x1b: {  	[sflag:s10] =	ssyncset.done $0x0  }
0x1c: {  	[sflag:s10] =	ssyncadd.s32 $0xFFFFFB00  }
0x1d: {  	s26 =	simm.s32 $0x0;
	[bflag:$0x0] =	sbarrier.arrive $0xFFFF  }
0x1e: {  	[tilespmem:s15], [sflag:$0x1] =	stream.indirect.gather [hbm4b:s2+s14], $0x10, s26, s14, $0xb8;
	[tilespmem:$0xB800] =	vst v63  }
0x1f: {  	s28 =	simm.s32 $0x80  }
0x20: {  	[tilespmem:s16], [sflag:$0x1] =	stream.indirect.gather [hbm4b:s2+s14], $0x10, s28, s14, $0xb8;
	[tilespmem:$0xB800] =	vst v63  }
0x21: {  	s29 =	simm.s32 $0x100  }
0x22: {  	[tilespmem:s17], [sflag:$0x1] =	stream.indirect.gather [hbm4b:s2+s14], $0x10, s29, s14, $0xb8;
	[tilespmem:$0xB800] =	vst v63  }
0x23: {  	s31 =	simm.s32 $0x180  }
0x24: {  	[tilespmem:s18], [sflag:$0x1] =	stream.indirect.gather [hbm4b:s2+s14], $0x10, s31, s14, $0xb8;
	[tilespmem:$0xB800] =	vst v63  }
0x25: {  	s28 =	simm.s32 $0x200  }
0x26: {  	[tilespmem:s19], [sflag:$0x1] =	stream.indirect.gather [hbm4b:s2+s14], $0x10, s28, s14, $0xb8;
	[tilespmem:$0xB800] =	vst v63  }
0x27: {  	s29 =	simm.s32 $0x280  }
0x28: {  	[tilespmem:s20], [sflag:$0x1] =	stream.indirect.gather [hbm4b:s2+s14], $0x10, s29, s14, $0xb8;
	[tilespmem:$0xB800] =	vst v63  }
0x29: {  	s31 =	simm.s32 $0x300  }
0x2a: {  	[tilespmem:s21], [sflag:$0x1] =	stream.indirect.gather [hbm4b:s2+s14], $0x10, s31, s14, $0xb8;
	[tilespmem:$0xB800] =	vst v63  }
0x2b: {  	s28 =	simm.s32 $0x380  }
0x2c: {  	[tilespmem:s22], [sflag:$0x1] =	stream.indirect.gather [hbm4b:s2+s14], $0x10, s28, s14, $0xb8;
	[tilespmem:$0xB800] =	vst v63  }
0x2d: {  	_ =	swait.ge [sflag:s23], $0x800  }
0x2e: {  	[sflag:s23] =	ssyncset.done $0x0  }
0x2f: {  	[sflag:s23] =	ssyncadd.s32 $0xFFFFF800  }
0x30: {  	_ =	swait.ge [sflag:s23], $0x800  }
0x31: {  	[sflag:s23] =	ssyncset.done $0x0  }
0x32: {  	[sflag:s23] =	ssyncadd.s32 $0xFFFFF800  }
0x33: {  	_ =	swait.ge [sflag:s23], $0x800  }
0x34: {  	[sflag:s23] =	ssyncset.done $0x0  }
0x35: {  	[sflag:s23] =	ssyncadd.s32 $0xFFFFF800  }
0x36: {  	_ =	swait.ge [sflag:s23], $0x800  }
0x37: {  	[sflag:s23] =	ssyncset.done $0x0  }
0x38: {  	[sflag:s23] =	ssyncadd.s32 $0xFFFFF800  }
0x39: {  	_ =	swait.ge [sflag:s23], $0x800  }
0x3a: {  	[sflag:s23] =	ssyncset.done $0x0  }
0x3b: {  	[sflag:s23] =	ssyncadd.s32 $0xFFFFF800  }
0x3c: {  	_ =	swait.ge [sflag:s23], $0x800  }
0x3d: {  	[sflag:s23] =	ssyncset.done $0x0  }
0x3e: {  	[sflag:s23] =	ssyncadd.s32 $0xFFFFF800  }
0x3f: {  	_ =	swait.ge [sflag:s23], $0x800  }
0x40: {  	[sflag:s23] =	ssyncset.done $0x0  }
0x41: {  	[sflag:s23] =	ssyncadd.s32 $0xFFFFF800  }
0x42: {  	_ =	swait.ge [sflag:s23], $0x800  }
0x43: {  	[sflag:s23] =	ssyncset.done $0x0  }
0x44: {  	s29 =	simm.s32 $0x2800;
	[sflag:s23] =	ssyncadd.s32 $0xFFFFF800  }
0x45: {  	[spmem:s3] =	stream.indirect.scatter.add.f32 [tilespmem:s15], [sflag:$0x2], $0x10, s29, s14, $0xb8;
	[tilespmem:$0xB800] =	vst v63  }
0x46: {  	s31 =	simm.s32 $0x2880  }
0x47: {  	[spmem:s3] =	stream.indirect.scatter.add.f32 [tilespmem:s16], [sflag:$0x2], $0x10, s31, s14, $0xb8;
	[tilespmem:$0xB800] =	vst v63  }
0x48: {  	s28 =	simm.s32 $0x2900  }
0x49: {  	[spmem:s3] =	stream.indirect.scatter.add.f32 [tilespmem:s17], [sflag:$0x2], $0x10, s28, s14, $0xb8;
	[tilespmem:$0xB800] =	vst v63  }
0x4a: {  	s29 =	simm.s32 $0x2980  }
0x4b: {  	[spmem:s3] =	stream.indirect.scatter.add.f32 [tilespmem:s18], [sflag:$0x2], $0x10, s29, s14, $0xb8;
	[tilespmem:$0xB800] =	vst v63  }
0x4c: {  	s31 =	simm.s32 $0x2A00  }
0x4d: {  	[spmem:s3] =	stream.indirect.scatter.add.f32 [tilespmem:s19], [sflag:$0x2], $0x10, s31, s14, $0xb8;
	[tilespmem:$0xB800] =	vst v63  }
0x4e: {  	s28 =	simm.s32 $0x2A80  }
0x4f: {  	[spmem:s3] =	stream.indirect.scatter.add.f32 [tilespmem:s20], [sflag:$0x2], $0x10, s28, s14, $0xb8;
	[tilespmem:$0xB800] =	vst v63  }
0x50: {  	s29 =	simm.s32 $0x2B00  }
0x51: {  	[spmem:s3] =	stream.indirect.scatter.add.f32 [tilespmem:s21], [sflag:$0x2], $0x10, s29, s14, $0xb8;
	[tilespmem:$0xB800] =	vst v63  }
0x52: {  	s31 =	simm.s32 $0x2B80  }
0x53: {  	[spmem:s3] =	stream.indirect.scatter.add.f32 [tilespmem:s22], [sflag:$0x2], $0x10, s31, s14, $0xb8;
	[tilespmem:$0xB800] =	vst v63  }
0x54: {  	_ =	swait.ge [sflag:s24], $0x800  }
0x55: {  	[sflag:s24] =	ssyncset.done $0x0  }
0x56: {  	[sflag:s24] =	ssyncadd.s32 $0xFFFFF800  }
0x57: {  	_ =	swait.ge [sflag:s24], $0x800  }
0x58: {  	[sflag:s24] =	ssyncset.done $0x0  }
0x59: {  	[sflag:s24] =	ssyncadd.s32 $0xFFFFF800  }
0x5a: {  	_ =	swait.ge [sflag:s24], $0x800  }
0x5b: {  	[sflag:s24] =	ssyncset.done $0x0  }
0x5c: {  	[sflag:s24] =	ssyncadd.s32 $0xFFFFF800  }
0x5d: {  	_ =	swait.ge [sflag:s24], $0x800  }
0x5e: {  	[sflag:s24] =	ssyncset.done $0x0  }
0x5f: {  	[sflag:s24] =	ssyncadd.s32 $0xFFFFF800  }
0x60: {  	_ =	swait.ge [sflag:s24], $0x800  }
0x61: {  	[sflag:s24] =	ssyncset.done $0x0  }
0x62: {  	[sflag:s24] =	ssyncadd.s32 $0xFFFFF800  }
0x63: {  	_ =	swait.ge [sflag:s24], $0x800  }
0x64: {  	[sflag:s24] =	ssyncset.done $0x0  }
0x65: {  	[sflag:s24] =	ssyncadd.s32 $0xFFFFF800  }
0x66: {  	_ =	swait.ge [sflag:s24], $0x800  }
0x67: {  	[sflag:s24] =	ssyncset.done $0x0  }
0x68: {  	[sflag:s24] =	ssyncadd.s32 $0xFFFFF800  }
0x69: {  	_ =	swait.ge [sflag:s24], $0x800  }
0x6a: {  	s30 =	simm.s32 $0x2000;
	s26 =	simm.s32 $0x1000;
	[sflag:s24] =	ssyncset.done $0x0  }
.LBB2_2:
0x6b: {  	s29 =	sshra.s32 s26, $0x2  }
0x6c: {  	[sflag:s24] =	ssyncadd.s32 $0xFFFFF800;
	s26 =	smov.u32 s30;
	s28 =	sadd.s32 $0x1000, s30  }
0x6d: {  	[tilespmem:s15], [sflag:$0x1] =	stream.indirect.gather [hbm4b:s2+s14], $0x10, s29, s14, $0xb8;
	[tilespmem:$0xB800] =	vst v63  }
0x6e: {  	p0 =	sne.s32 s30, $0x9000;
	s30 =	sadd.s32 $0x80, s29  }
0x6f: {  	[tilespmem:s16], [sflag:$0x1] =	stream.indirect.gather [hbm4b:s2+s14], $0x10, s30, s14, $0xb8;
	[tilespmem:$0xB800] =	vst v63  }
0x70: {  	s30 =	sadd.s32 $0x100, s29  }
0x71: {  	[tilespmem:s17], [sflag:$0x1] =	stream.indirect.gather [hbm4b:s2+s14], $0x10, s30, s14, $0xb8;
	[tilespmem:$0xB800] =	vst v63  }
0x72: {  	s30 =	sadd.s32 $0x180, s29  }
0x73: {  	[tilespmem:s18], [sflag:$0x1] =	stream.indirect.gather [hbm4b:s2+s14], $0x10, s30, s14, $0xb8;
	[tilespmem:$0xB800] =	vst v63  }
0x74: {  	s30 =	sadd.s32 $0x200, s29  }
0x75: {  	[tilespmem:s19], [sflag:$0x1] =	stream.indirect.gather [hbm4b:s2+s14], $0x10, s30, s14, $0xb8;
	[tilespmem:$0xB800] =	vst v63  }
0x76: {  	s30 =	sadd.s32 $0x280, s29  }
0x77: {  	[tilespmem:s20], [sflag:$0x1] =	stream.indirect.gather [hbm4b:s2+s14], $0x10, s30, s14, $0xb8;
	[tilespmem:$0xB800] =	vst v63  }
0x78: {  	s30 =	sadd.s32 $0x300, s29  }
0x79: {  	[tilespmem:s21], [sflag:$0x1] =	stream.indirect.gather [hbm4b:s2+s14], $0x10, s30, s14, $0xb8;
	[tilespmem:$0xB800] =	vst v63  }
0x7a: {  	s30 =	sadd.s32 $0x380, s29  }
0x7b: {  	[tilespmem:s22], [sflag:$0x1] =	stream.indirect.gather [hbm4b:s2+s14], $0x10, s30, s14, $0xb8;
	[tilespmem:$0xB800] =	vst v63  }
0x7c: {  	_ =	swait.ge [sflag:s23], $0x800  }
0x7d: {  	[sflag:s23] =	ssyncset.done $0x0  }
0x7e: {  	[sflag:s23] =	ssyncadd.s32 $0xFFFFF800  }
0x7f: {  	_ =	swait.ge [sflag:s23], $0x800  }
0x80: {  	[sflag:s23] =	ssyncset.done $0x0  }
0x81: {  	[sflag:s23] =	ssyncadd.s32 $0xFFFFF800  }
0x82: {  	_ =	swait.ge [sflag:s23], $0x800  }
0x83: {  	[sflag:s23] =	ssyncset.done $0x0  }
0x84: {  	[sflag:s23] =	ssyncadd.s32 $0xFFFFF800  }
0x85: {  	_ =	swait.ge [sflag:s23], $0x800  }
0x86: {  	[sflag:s23] =	ssyncset.done $0x0  }
0x87: {  	[sflag:s23] =	ssyncadd.s32 $0xFFFFF800  }
0x88: {  	_ =	swait.ge [sflag:s23], $0x800  }
0x89: {  	[sflag:s23] =	ssyncset.done $0x0  }
0x8a: {  	[sflag:s23] =	ssyncadd.s32 $0xFFFFF800  }
0x8b: {  	_ =	swait.ge [sflag:s23], $0x800  }
0x8c: {  	[sflag:s23] =	ssyncset.done $0x0  }
0x8d: {  	[sflag:s23] =	ssyncadd.s32 $0xFFFFF800  }
0x8e: {  	_ =	swait.ge [sflag:s23], $0x800  }
0x8f: {  	[sflag:s23] =	ssyncset.done $0x0  }
0x90: {  	[sflag:s23] =	ssyncadd.s32 $0xFFFFF800  }
0x91: {  	_ =	swait.ge [sflag:s23], $0x800  }
0x92: {  	[sflag:s23] =	ssyncset.done $0x0  }
0x93: {  	s30 =	sadd.s32 $0x2800, s29;
	[sflag:s23] =	ssyncadd.s32 $0xFFFFF800  }
0x94: {  	[spmem:s3] =	stream.indirect.scatter.add.f32 [tilespmem:s15], [sflag:$0x2], $0x10, s30, s14, $0xb8;
	[tilespmem:$0xB800] =	vst v63  }
0x95: {  	s30 =	sadd.s32 $0x2880, s29  }
0x96: {  	[spmem:s3] =	stream.indirect.scatter.add.f32 [tilespmem:s16], [sflag:$0x2], $0x10, s30, s14, $0xb8;
	[tilespmem:$0xB800] =	vst v63  }
0x97: {  	s30 =	sadd.s32 $0x2900, s29  }
0x98: {  	[spmem:s3] =	stream.indirect.scatter.add.f32 [tilespmem:s17], [sflag:$0x2], $0x10, s30, s14, $0xb8;
	[tilespmem:$0xB800] =	vst v63  }
0x99: {  	s30 =	sadd.s32 $0x2980, s29  }
0x9a: {  	[spmem:s3] =	stream.indirect.scatter.add.f32 [tilespmem:s18], [sflag:$0x2], $0x10, s30, s14, $0xb8;
	[tilespmem:$0xB800] =	vst v63  }
0x9b: {  	s30 =	sadd.s32 $0x2A00, s29  }
0x9c: {  	[spmem:s3] =	stream.indirect.scatter.add.f32 [tilespmem:s19], [sflag:$0x2], $0x10, s30, s14, $0xb8;
	[tilespmem:$0xB800] =	vst v63  }
0x9d: {  	s30 =	sadd.s32 $0x2A80, s29  }
0x9e: {  	[spmem:s3] =	stream.indirect.scatter.add.f32 [tilespmem:s20], [sflag:$0x2], $0x10, s30, s14, $0xb8;
	[tilespmem:$0xB800] =	vst v63  }
0x9f: {  	s30 =	sadd.s32 $0x2B00, s29  }
0xa0: {  	[spmem:s3] =	stream.indirect.scatter.add.f32 [tilespmem:s21], [sflag:$0x2], $0x10, s30, s14, $0xb8;
	[tilespmem:$0xB800] =	vst v63  }
0xa1: {  	s29 =	sadd.s32 $0x2B80, s29  }
0xa2: {  	[spmem:s3] =	stream.indirect.scatter.add.f32 [tilespmem:s22], [sflag:$0x2], $0x10, s29, s14, $0xb8;
	[tilespmem:$0xB800] =	vst v63  }
0xa3: {  	_ =	swait.ge [sflag:s24], $0x800  }
0xa4: {  	[sflag:s24] =	ssyncset.done $0x0  }
0xa5: {  	[sflag:s24] =	ssyncadd.s32 $0xFFFFF800  }
0xa6: {  	_ =	swait.ge [sflag:s24], $0x800  }
0xa7: {  	[sflag:s24] =	ssyncset.done $0x0  }
0xa8: {  	[sflag:s24] =	ssyncadd.s32 $0xFFFFF800  }
0xa9: {  	_ =	swait.ge [sflag:s24], $0x800  }
0xaa: {  	[sflag:s24] =	ssyncset.done $0x0  }
0xab: {  	[sflag:s24] =	ssyncadd.s32 $0xFFFFF800  }
0xac: {  	_ =	swait.ge [sflag:s24], $0x800  }
0xad: {  	[sflag:s24] =	ssyncset.done $0x0  }
0xae: {  	[sflag:s24] =	ssyncadd.s32 $0xFFFFF800  }
0xaf: {  	_ =	swait.ge [sflag:s24], $0x800  }
0xb0: {  	[sflag:s24] =	ssyncset.done $0x0  }
0xb1: {  	[sflag:s24] =	ssyncadd.s32 $0xFFFFF800  }
0xb2: {  	_ =	swait.ge [sflag:s24], $0x800  }
0xb3: {  	[sflag:s24] =	ssyncset.done $0x0  }
0xb4: {  	[sflag:s24] =	ssyncadd.s32 $0xFFFFF800  }
.Ltmp0:
0xb5: {  	_ =	swait.ge [sflag:s24], $0x800;
	(pc) =	sbr.rel @p0 .LBB2_2-.Ltmp0, $4  }
0xb6: {  	[sflag:s24] =	ssyncset.done $0x0  }
0xb7: {  	[sflag:s24] =	ssyncadd.s32 $0xFFFFF800  }
0xb8: {  	_ =	swait.ge [sflag:s24], $0x800  }
0xb9: {  	s30 =	smov.u32 s28;
	[sflag:s24] =	ssyncset.done $0x0  }
0xba: {  	s26 =	sshra.s32 s26, $0x2;
	[sflag:s24] =	ssyncadd.s32 $0xFFFFF800  }
0xbb: {  	[tilespmem:s15], [sflag:$0x1] =	stream.indirect.gather [hbm4b:s2+s14], $0x10, s26, s14, $0xb8;
	[tilespmem:$0xB800] =	vst v63  }
0xbc: {  	s28 =	sadd.s32 $0x80, s26  }
0xbd: {  	[tilespmem:s16], [sflag:$0x1] =	stream.indirect.gather [hbm4b:s2+s14], $0x10, s28, s14, $0xb8;
	[tilespmem:$0xB800] =	vst v63  }
0xbe: {  	s31 =	sadd.s32 $0x100, s26  }
0xbf: {  	[tilespmem:s17], [sflag:$0x1] =	stream.indirect.gather [hbm4b:s2+s14], $0x10, s31, s14, $0xb8;
	[tilespmem:$0xB800] =	vst v63  }
0xc0: {  	s29 =	sadd.s32 $0x180, s26  }
0xc1: {  	[tilespmem:s18], [sflag:$0x1] =	stream.indirect.gather [hbm4b:s2+s14], $0x10, s29, s14, $0xb8;
	[tilespmem:$0xB800] =	vst v63  }
0xc2: {  	s30 =	sadd.s32 $0x200, s26  }
0xc3: {  	[tilespmem:s19], [sflag:$0x1] =	stream.indirect.gather [hbm4b:s2+s14], $0x10, s30, s14, $0xb8;
	[tilespmem:$0xB800] =	vst v63  }
0xc4: {  	s31 =	sadd.s32 $0x280, s26  }
0xc5: {  	[tilespmem:s20], [sflag:$0x1] =	stream.indirect.gather [hbm4b:s2+s14], $0x10, s31, s14, $0xb8;
	[tilespmem:$0xB800] =	vst v63  }
0xc6: {  	s29 =	sadd.s32 $0x300, s26  }
0xc7: {  	[tilespmem:s21], [sflag:$0x1] =	stream.indirect.gather [hbm4b:s2+s14], $0x10, s29, s14, $0xb8;
	[tilespmem:$0xB800] =	vst v63  }
0xc8: {  	s30 =	sadd.s32 $0x380, s26  }
0xc9: {  	[tilespmem:s22], [sflag:$0x1] =	stream.indirect.gather [hbm4b:s2+s14], $0x10, s30, s14, $0xb8;
	[tilespmem:$0xB800] =	vst v63  }
0xca: {  	_ =	swait.ge [sflag:s23], $0x800  }
0xcb: {  	[sflag:s23] =	ssyncset.done $0x0  }
0xcc: {  	[sflag:s23] =	ssyncadd.s32 $0xFFFFF800  }
0xcd: {  	_ =	swait.ge [sflag:s23], $0x800  }
0xce: {  	[sflag:s23] =	ssyncset.done $0x0  }
0xcf: {  	[sflag:s23] =	ssyncadd.s32 $0xFFFFF800  }
0xd0: {  	_ =	swait.ge [sflag:s23], $0x800  }
0xd1: {  	[sflag:s23] =	ssyncset.done $0x0  }
0xd2: {  	[sflag:s23] =	ssyncadd.s32 $0xFFFFF800  }
0xd3: {  	_ =	swait.ge [sflag:s23], $0x800  }
0xd4: {  	[sflag:s23] =	ssyncset.done $0x0  }
0xd5: {  	[sflag:s23] =	ssyncadd.s32 $0xFFFFF800  }
0xd6: {  	_ =	swait.ge [sflag:s23], $0x800  }
0xd7: {  	[sflag:s23] =	ssyncset.done $0x0  }
0xd8: {  	[sflag:s23] =	ssyncadd.s32 $0xFFFFF800  }
0xd9: {  	_ =	swait.ge [sflag:s23], $0x800  }
0xda: {  	[sflag:s23] =	ssyncset.done $0x0  }
0xdb: {  	[sflag:s23] =	ssyncadd.s32 $0xFFFFF800  }
0xdc: {  	_ =	swait.ge [sflag:s23], $0x800  }
0xdd: {  	[sflag:s23] =	ssyncset.done $0x0  }
0xde: {  	[sflag:s23] =	ssyncadd.s32 $0xFFFFF800  }
0xdf: {  	_ =	swait.ge [sflag:s23], $0x800  }
0xe0: {  	[sflag:s23] =	ssyncset.done $0x0  }
0xe1: {  	s31 =	sadd.s32 $0x2800, s26;
	[sflag:s23] =	ssyncadd.s32 $0xFFFFF800  }
0xe2: {  	[spmem:s3] =	stream.indirect.scatter.add.f32 [tilespmem:s15], [sflag:$0x2], $0x10, s31, s14, $0xb8;
	[tilespmem:$0xB800] =	vst v63  }
0xe3: {  	s29 =	sadd.s32 $0x2880, s26  }
0xe4: {  	[spmem:s3] =	stream.indirect.scatter.add.f32 [tilespmem:s16], [sflag:$0x2], $0x10, s29, s14, $0xb8;
	[tilespmem:$0xB800] =	vst v63  }
0xe5: {  	s30 =	sadd.s32 $0x2900, s26  }
0xe6: {  	[spmem:s3] =	stream.indirect.scatter.add.f32 [tilespmem:s17], [sflag:$0x2], $0x10, s30, s14, $0xb8;
	[tilespmem:$0xB800] =	vst v63  }
0xe7: {  	s31 =	sadd.s32 $0x2980, s26  }
0xe8: {  	[spmem:s3] =	stream.indirect.scatter.add.f32 [tilespmem:s18], [sflag:$0x2], $0x10, s31, s14, $0xb8;
	[tilespmem:$0xB800] =	vst v63  }
0xe9: {  	s29 =	sadd.s32 $0x2A00, s26  }
0xea: {  	[spmem:s3] =	stream.indirect.scatter.add.f32 [tilespmem:s19], [sflag:$0x2], $0x10, s29, s14, $0xb8;
	[tilespmem:$0xB800] =	vst v63  }
0xeb: {  	s30 =	sadd.s32 $0x2A80, s26  }
0xec: {  	[spmem:s3] =	stream.indirect.scatter.add.f32 [tilespmem:s20], [sflag:$0x2], $0x10, s30, s14, $0xb8;
	[tilespmem:$0xB800] =	vst v63  }
0xed: {  	s31 =	sadd.s32 $0x2B00, s26  }
0xee: {  	[spmem:s3] =	stream.indirect.scatter.add.f32 [tilespmem:s21], [sflag:$0x2], $0x10, s31, s14, $0xb8;
	[tilespmem:$0xB800] =	vst v63  }
0xef: {  	s26 =	sadd.s32 $0x2B80, s26  }
0xf0: {  	[spmem:s3] =	stream.indirect.scatter.add.f32 [tilespmem:s22], [sflag:$0x2], $0x10, s26, s14, $0xb8;
	[tilespmem:$0xB800] =	vst v63  }
0xf1: {  	_ =	swait.ge [sflag:s24], $0x800  }
0xf2: {  	[sflag:s24] =	ssyncset.done $0x0  }
0xf3: {  	[sflag:s24] =	ssyncadd.s32 $0xFFFFF800  }
0xf4: {  	_ =	swait.ge [sflag:s24], $0x800  }
0xf5: {  	[sflag:s24] =	ssyncset.done $0x0  }
0xf6: {  	[sflag:s24] =	ssyncadd.s32 $0xFFFFF800  }
0xf7: {  	_ =	swait.ge [sflag:s24], $0x800  }
0xf8: {  	[sflag:s24] =	ssyncset.done $0x0  }
0xf9: {  	[sflag:s24] =	ssyncadd.s32 $0xFFFFF800  }
0xfa: {  	_ =	swait.ge [sflag:s24], $0x800  }
0xfb: {  	[sflag:s24] =	ssyncset.done $0x0  }
0xfc: {  	[sflag:s24] =	ssyncadd.s32 $0xFFFFF800  }
0xfd: {  	_ =	swait.ge [sflag:s24], $0x800  }
0xfe: {  	[sflag:s24] =	ssyncset.done $0x0  }
0xff: {  	[sflag:s24] =	ssyncadd.s32 $0xFFFFF800  }
0x100: {  	_ =	swait.ge [sflag:s24], $0x800  }
0x101: {  	[sflag:s24] =	ssyncset.done $0x0  }
0x102: {  	[sflag:s24] =	ssyncadd.s32 $0xFFFFF800  }
0x103: {  	_ =	swait.ge [sflag:s24], $0x800  }
0x104: {  	[sflag:s24] =	ssyncset.done $0x0  }
0x105: {  	[sflag:s24] =	ssyncadd.s32 $0xFFFFF800  }
0x106: {  	_ =	swait.ge [sflag:s24], $0x800  }
0x107: {  	s25 =	sadd.s32 $0x1, s25;
	[sflag:s24] =	ssyncset.done $0x0  }
0x108: {  	p0 =	sne.s32 s25, s9;
	[sflag:s24] =	ssyncadd.s32 $0xFFFFF800  }
.Ltmp1:
0x109: {  	[bflag:$0x0] =	sbarrier.arrive $0xFFFF;
	(pc) =	sbr.rel @p0 .LBB2_1-.Ltmp1, $4  }
0x10a: {  	[hbm:s8], [sflag:s12] =	dma.local [spmem:s13], $0x500  }
0x10b: {  	_ =	swait.ge [sflag:s10], $0x500  }
0x10c: {  	[sflag:s10] =	ssyncset.done $0x0  }
0x10d: {  	[sflag:s10] =	ssyncadd.s32 $0xFFFFFB00  }
0x10e: {  	_ =	sfence.sel $0x180000  }
0x10f: {  	[bflag:$0x0] =	sbarrier.arrive $0xFFFF  }
0x110: {  	p0 =	sne.s32 s0, $0x0;
	_ =	strace $0x9000004A  }
0x111: {  	s0 =	sadd.s32 @!p0 $0x100000, s1;
	[bflag:$0x2] =	sbarrier.arrive $0xFFFF  }
0x112: {  	[sflag:s0] =	ssyncadd.tile.s32 @!p0 $0x1;
	_ =	shalt  }
.Lfunc_end2:
_tile_overlayer_lowered:
.L_overlay_start_2:
0x113: {  	(tag) =	ssettag $0x2  }
0x114: {  	s0 =	rddreg [dreg:$0x0];
	s2 =	stileid.u32  }
0x115: {  	s1 =	rddreg [dreg:$0x1];
	p0 =	sne.s32 s2, $0x0  }
0x116: {  	s3 =	rddreg [dreg:$0x2];
	[bflag:$0x3] =	sbarrier.arrive $0xFFFF;
	s2 =	simm.s32 @!p0 $0x1C03  }
0x117: {  	[timem:s3], [sflag:s2] =	dma.local @!p0 [hbm:s0], s1  }
0x118: {  	s0 =	simm.s32 @!p0 $0x3  }
0x119: {  	_ =	swait.ge @!p0 [sflag:s0], s1  }
0x11a: {  	s1 =	ssub.s32 @!p0 $0x0, s1;
	[sflag:s0] =	ssyncset.done @!p0 $0x0  }
0x11b: {  	[sflag:s0] =	ssyncadd.s32 @!p0 s1  }
0x11c: {  	[bflag:$0x3] =	sbarrier.arrive $0xFFFF  }
0x11d: {  	_ =	shalt  }

</sc_bundles>
